<compile_context>
chip_gen: v7x
topology: tpu7x:2x2x1
jax: 0.10.2.dev20260603
libtpu: 0.0.44.dev20260713+nightly
codegen_flags: <defaults>
</compile_context>

<pallas_src>
import functools

import jax
import jax.numpy as jnp
from jax import lax
from jax.experimental import pallas as pl
from jax.experimental.pallas import tpu as pltpu
from jax.experimental.pallas import tpu_sc as plsc

MAXLEN = 500
EMBED_DIM = 64
BATCH = 4096

NC = 2
NS = 16
NW = NC * NS
ROWS_PER_W = BATCH // NW


def _make_sc_kernel():
  mesh = plsc.VectorSubcoreMesh(core_axis_name="c", subcore_axis_name="s")

  @functools.partial(
      pl.kernel,
      mesh=mesh,
      out_type=jax.ShapeDtypeStruct((BATCH, MAXLEN, EMBED_DIM), jnp.float32),
      compiler_params=pltpu.CompilerParams(use_tc_tiling_on_sc=False),
      scratch_types=[
          pltpu.VMEM((MAXLEN,), jnp.int32),
          pltpu.VMEM((MAXLEN,), jnp.int32),
          pltpu.VMEM((MAXLEN, EMBED_DIM), jnp.float32),
          pltpu.VMEM((MAXLEN, EMBED_DIM), jnp.float32),
          pltpu.VMEM((MAXLEN, EMBED_DIM), jnp.float32),
          pltpu.SemaphoreType.DMA,
          pltpu.SemaphoreType.DMA,
          pltpu.SemaphoreType.DMA,
          pltpu.SemaphoreType.DMA,
      ],
  )
  def k(x_hbm, tab_hbm, pos_hbm, out_hbm,
        idx0, idx1, rows0, rows1, pos_v, g0, g1, o0, o1):
    wid = lax.axis_index("s") * NC + lax.axis_index("c")
    row0 = wid * ROWS_PER_W

    idx = (idx0, idx1)
    rows = (rows0, rows1)
    gsem = (g0, g1)
    osem = (o0, o1)

    pltpu.sync_copy(pos_hbm, pos_v)

    pltpu.sync_copy(x_hbm.at[row0], idx0)
    pltpu.async_copy(tab_hbm.at[idx0], rows0, g0)

    def step(r, b, nb):
      pltpu.make_async_copy(tab_hbm.at[idx[b]], rows[b], gsem[b]).wait()

      @pl.when(r < ROWS_PER_W - 1)
      def _():
        @pl.when(r >= 1)
        def _():
          pltpu.make_async_copy(
              rows[nb], out_hbm.at[row0 + r - 1], osem[nb]).wait()
        pltpu.sync_copy(x_hbm.at[row0 + r + 1], idx[nb])
        pltpu.async_copy(tab_hbm.at[idx[nb]], rows[nb], gsem[nb])

      rv = rows[b]

      def add_body(l, carry):
        for c in range(EMBED_DIM // 16):
          s = pl.ds(c * 16, 16)
          rv[l, s] = rv[l, s] + pos_v[l, s]
        return carry

      lax.fori_loop(0, MAXLEN, add_body, 0, unroll=4)

      pltpu.async_copy(rows[b], out_hbm.at[row0 + r], osem[b])

    def pair(g, carry):
      step(2 * g, 0, 1)
      step(2 * g + 1, 1, 0)
      return carry

    lax.fori_loop(0, ROWS_PER_W // 2, pair, 0)

    pltpu.make_async_copy(rows0, out_hbm.at[row0 + ROWS_PER_W - 2], o0).wait()
    pltpu.make_async_copy(rows1, out_hbm.at[row0 + ROWS_PER_W - 1], o1).wait()

  return k


_sc_kernel = _make_sc_kernel()


def kernel(x, token_table, pos_table):
  return _sc_kernel(x.astype(jnp.int32), token_table, pos_table)

# --- scband reference (transcript-rebuilt; emitter-appended) ---
"""Pipeline reference for scband-token-and-position-embedding-40793599378043 (READ-ONLY COPY).

The authoritative reference and input builder live on the scoring server;
editing this copy changes nothing except your own understanding.
"""

import jax, jax.numpy as jnp
import numpy as np

MAXLEN = 500
MAX_FEATURES = 300000
EMBED_DIM = 64
BATCH = 4096

def setup_inputs(seed: int = 0) -> dict:
    key = jax.random.key(seed)
    k1, k2, k3 = jax.random.split(key, 3)
    x = jax.random.randint(k1, (BATCH, MAXLEN), 0, MAX_FEATURES, dtype=jnp.int64 if jax.config.jax_enable_x64 else jnp.int32)
    token_table = jax.random.normal(k2, (MAX_FEATURES, EMBED_DIM), dtype=jnp.float32) * 0.05
    pos_table = jax.random.normal(k3, (MAXLEN, EMBED_DIM), dtype=jnp.float32) * 0.05
    return {"x": x, "token_table": token_table, "pos_table": pos_table}

def reference(x, token_table, pos_table):
    seqlen = x.shape[-1]
    positions = jnp.arange(seqlen)
    pos_embedded = jnp.take(pos_table, positions, axis=0)  # [seqlen, d]
    tok_embedded = jnp.take(token_table, x, axis=0)        # [B, seqlen, d]
    return tok_embedded + pos_embedded[None, :, :]

if __name__ == "__main__":
    import jax
    _d = setup_inputs()
    print(jax.jit(kernel)(*tuple(_d.values())))

</pallas_src>

<mosaic_0001>
#map = affine_map<(d0, d1) -> (0, 0)>
#map1 = affine_map<(d0, d1) -> (0, 0, 0)>
module attributes {stable_mosaic.version = 14 : i64} {
  func.func @k(%arg0: i32, %arg1: i32, %arg2: memref<4096x500xi32, #tpu.memory_space<hbm>>, %arg3: memref<300000x64xf32, #tpu.memory_space<hbm>>, %arg4: memref<500x64xf32, #tpu.memory_space<hbm>>, %arg5: memref<4096x500x64xf32, #tpu.memory_space<hbm>>, %arg6: memref<500xi32, #tpu.memory_space<vmem>>, %arg7: memref<500xi32, #tpu.memory_space<vmem>>, %arg8: memref<500x64xf32, #tpu.memory_space<vmem>>, %arg9: memref<500x64xf32, #tpu.memory_space<vmem>>, %arg10: memref<500x64xf32, #tpu.memory_space<vmem>>, %arg11: memref<!tpu.dma_semaphore, #tpu.memory_space<semaphore_mem>>, %arg12: memref<!tpu.dma_semaphore, #tpu.memory_space<semaphore_mem>>, %arg13: memref<!tpu.dma_semaphore, #tpu.memory_space<semaphore_mem>>, %arg14: memref<!tpu.dma_semaphore, #tpu.memory_space<semaphore_mem>>) attributes {dimension_semantics = [#tpu.dimension_semantics<core_parallel>, #tpu.dimension_semantics<subcore_parallel>], iteration_bounds = array<i64: 2, 16>, scalar_prefetch = 0 : i64, scratch_operands = 9 : i64, tpu.core_type = #tpu.core_type<sc_vector_subcore>, window_params = [{transform_indices = #map}, {transform_indices = #map}, {transform_indices = #map}, {transform_indices = #map1}]} {
    %mul3A = arith.constant 2 : i32
    %mul3A_0 = arith.muli %arg1, %mul3A : i32
    %add3A = arith.addi %mul3A_0, %arg0 : i32
    %mul3A_1 = arith.constant 128 : i32
    %mul3A_2 = arith.muli %add3A, %mul3A_1 : i32
    "tpu.region"() ({
      %run_scoped3A = tpu.sem_alloc : memref<!tpu.dma_semaphore, #tpu.memory_space<semaphore_mem>>
      tpu.enqueue_dma source(%arg4 : memref<500x64xf32, #tpu.memory_space<hbm>>) target(%arg10 : memref<500x64xf32, #tpu.memory_space<vmem>>) target_semaphore(%run_scoped3A : memref<!tpu.dma_semaphore, #tpu.memory_space<semaphore_mem>>)
      tpu.wait_dma2 semaphore(%run_scoped3A : memref<!tpu.dma_semaphore, #tpu.memory_space<semaphore_mem>>) src(%arg4 : memref<500x64xf32, #tpu.memory_space<hbm>>) dst(%arg10 : memref<500x64xf32, #tpu.memory_space<vmem>>)
      tpu.yield
    }) : () -> ()
    "tpu.region"() ({
      %run_scoped3A = tpu.sem_alloc : memref<!tpu.dma_semaphore, #tpu.memory_space<semaphore_mem>>
      %dma_start3A_32 = arith.constant 0 : i32
      %dma_start3A_33 = tpu.memref_slice %arg2[%mul3A_2, %dma_start3A_32] : memref<4096x500xi32, #tpu.memory_space<hbm>> -> memref<1x500xi32, #tpu.memory_space<hbm>>
      %dma_start3A_34 = tpu.memref_squeeze %dma_start3A_33 : memref<1x500xi32, #tpu.memory_space<hbm>> -> memref<500xi32, #tpu.memory_space<hbm>>
      %dma_start3A_35 = arith.constant 0 : i32
      %dma_start3A_36 = tpu.memref_slice %arg2[%mul3A_2, %dma_start3A_35] : memref<4096x500xi32, #tpu.memory_space<hbm>> -> memref<1x500xi32, #tpu.memory_space<hbm>>
      %dma_start3A_37 = tpu.memref_squeeze %dma_start3A_36 : memref<1x500xi32, #tpu.memory_space<hbm>> -> memref<500xi32, #tpu.memory_space<hbm>>
      tpu.enqueue_dma source(%dma_start3A_37 : memref<500xi32, #tpu.memory_space<hbm>>) target(%arg6 : memref<500xi32, #tpu.memory_space<vmem>>) target_semaphore(%run_scoped3A : memref<!tpu.dma_semaphore, #tpu.memory_space<semaphore_mem>>)
      %dma_wait3A_38 = arith.constant 0 : i32
      %dma_wait3A_39 = tpu.memref_slice %arg2[%mul3A_2, %dma_wait3A_38] : memref<4096x500xi32, #tpu.memory_space<hbm>> -> memref<1x500xi32, #tpu.memory_space<hbm>>
      %dma_wait3A_40 = tpu.memref_squeeze %dma_wait3A_39 : memref<1x500xi32, #tpu.memory_space<hbm>> -> memref<500xi32, #tpu.memory_space<hbm>>
      %dma_wait3A_41 = arith.constant 0 : i32
      %dma_wait3A_42 = tpu.memref_slice %arg2[%mul3A_2, %dma_wait3A_41] : memref<4096x500xi32, #tpu.memory_space<hbm>> -> memref<1x500xi32, #tpu.memory_space<hbm>>
      %dma_wait3A_43 = tpu.memref_squeeze %dma_wait3A_42 : memref<1x500xi32, #tpu.memory_space<hbm>> -> memref<500xi32, #tpu.memory_space<hbm>>
      tpu.wait_dma2 semaphore(%run_scoped3A : memref<!tpu.dma_semaphore, #tpu.memory_space<semaphore_mem>>) src(%dma_wait3A_43 : memref<500xi32, #tpu.memory_space<hbm>>) dst(%arg6 : memref<500xi32, #tpu.memory_space<vmem>>)
      tpu.yield
    }) : () -> ()
    %dma_start3A = arith.constant 0 : i32
    %dma_start3A_3 = arith.constant 0 : i32
    %dma_start3A_4 = tpu.memref_slice %arg3[%dma_start3A, %dma_start3A_3] : memref<300000x64xf32, #tpu.memory_space<hbm>> -> memref<300000x64xf32, #tpu.memory_space<hbm>>
    tpu.enqueue_indirect_dma source(%dma_start3A_4 : memref<300000x64xf32, #tpu.memory_space<hbm>>) target(%arg8 : memref<500x64xf32, #tpu.memory_space<vmem>>) offsets(%arg6 : memref<500xi32, #tpu.memory_space<vmem>>) semaphore(%arg11 : memref<!tpu.dma_semaphore, #tpu.memory_space<semaphore_mem>>)
    %scan3A = arith.constant 0 : i32
    %scan3A_5 = arith.constant 0 : i32
    %scan3A_6 = arith.constant 64 : i32
    %scan3A_7 = arith.addi %scan3A_5, %scan3A_6 : i32
    %scan3A_8 = arith.constant 1 : i32
    scf.for %scan3A_32 = %scan3A_5 to %scan3A_7 step %scan3A_8  : i32 {
      %mul3A_33 = arith.constant 2 : i32
      %mul3A_34 = arith.muli %mul3A_33, %scan3A_32 : i32
      %dma_wait3A_35 = arith.constant 0 : i32
      %dma_wait3A_36 = arith.constant 0 : i32
      %dma_wait3A_37 = tpu.memref_slice %arg3[%dma_wait3A_35, %dma_wait3A_36] : memref<300000x64xf32, #tpu.memory_space<hbm>> -> memref<300000x64xf32, #tpu.memory_space<hbm>>
      tpu.wait_indirect_dma semaphore(%arg11 : memref<!tpu.dma_semaphore, #tpu.memory_space<semaphore_mem>>) src(%dma_wait3A_37 : memref<300000x64xf32, #tpu.memory_space<hbm>>) dst(%arg8 : memref<500x64xf32, #tpu.memory_space<vmem>>)
      %lt3A = arith.constant 127 : i32
      %lt3A_38 = arith.cmpi slt, %mul3A_34, %lt3A : i32
      %convert_element_type3A = arith.extui %lt3A_38 : i1 to i32
      %cond3A = arith.constant 0 : i32
      %cond3A_39 = arith.cmpi ne, %convert_element_type3A, %cond3A : i32
      scf.if %cond3A_39 {
        %ge3A = arith.constant 1 : i32
        %ge3A_82 = arith.cmpi sge, %mul3A_34, %ge3A : i32
        %convert_element_type3A_83 = arith.extui %ge3A_82 : i1 to i32
        %cond3A_84 = arith.constant 0 : i32
        %cond3A_85 = arith.cmpi ne, %convert_element_type3A_83, %cond3A_84 : i32
        scf.if %cond3A_85 {
          %add3A_92 = arith.addi %mul3A_2, %mul3A_34 : i32
          %sub3A_93 = arith.constant 1 : i32
          %sub3A_94 = arith.subi %add3A_92, %sub3A_93 : i32
          %dma_wait3A_95 = arith.constant 0 : i32
          %dma_wait3A_96 = arith.constant 0 : i32
          %dma_wait3A_97 = tpu.memref_slice %arg5[%sub3A_94, %dma_wait3A_95, %dma_wait3A_96] : memref<4096x500x64xf32, #tpu.memory_space<hbm>> -> memref<1x500x64xf32, #tpu.memory_space<hbm>>
          %dma_wait3A_98 = tpu.memref_squeeze %dma_wait3A_97 : memref<1x500x64xf32, #tpu.memory_space<hbm>> -> memref<500x64xf32, #tpu.memory_space<hbm>>
          %dma_wait3A_99 = arith.constant 0 : i32
          %dma_wait3A_100 = arith.constant 0 : i32
          %dma_wait3A_101 = tpu.memref_slice %arg5[%sub3A_94, %dma_wait3A_99, %dma_wait3A_100] : memref<4096x500x64xf32, #tpu.memory_space<hbm>> -> memref<1x500x64xf32, #tpu.memory_space<hbm>>
          %dma_wait3A_102 = tpu.memref_squeeze %dma_wait3A_101 : memref<1x500x64xf32, #tpu.memory_space<hbm>> -> memref<500x64xf32, #tpu.memory_space<hbm>>
          tpu.wait_dma2 semaphore(%arg14 : memref<!tpu.dma_semaphore, #tpu.memory_space<semaphore_mem>>) src(%arg9 : memref<500x64xf32, #tpu.memory_space<vmem>>) dst(%dma_wait3A_102 : memref<500x64xf32, #tpu.memory_space<hbm>>)
        } else {
        }
        %add3A_86 = arith.addi %mul3A_2, %mul3A_34 : i32
        %add3A_87 = arith.constant 1 : i32
        %add3A_88 = arith.addi %add3A_86, %add3A_87 : i32
        "tpu.region"() ({
          %run_scoped3A = tpu.sem_alloc : memref<!tpu.dma_semaphore, #tpu.memory_space<semaphore_mem>>
          %dma_start3A_92 = arith.constant 0 : i32
          %dma_start3A_93 = tpu.memref_slice %arg2[%add3A_88, %dma_start3A_92] : memref<4096x500xi32, #tpu.memory_space<hbm>> -> memref<1x500xi32, #tpu.memory_space<hbm>>
          %dma_start3A_94 = tpu.memref_squeeze %dma_start3A_93 : memref<1x500xi32, #tpu.memory_space<hbm>> -> memref<500xi32, #tpu.memory_space<hbm>>
          %dma_start3A_95 = arith.constant 0 : i32
          %dma_start3A_96 = tpu.memref_slice %arg2[%add3A_88, %dma_start3A_95] : memref<4096x500xi32, #tpu.memory_space<hbm>> -> memref<1x500xi32, #tpu.memory_space<hbm>>
          %dma_start3A_97 = tpu.memref_squeeze %dma_start3A_96 : memref<1x500xi32, #tpu.memory_space<hbm>> -> memref<500xi32, #tpu.memory_space<hbm>>
          tpu.enqueue_dma source(%dma_start3A_97 : memref<500xi32, #tpu.memory_space<hbm>>) target(%arg7 : memref<500xi32, #tpu.memory_space<vmem>>) target_semaphore(%run_scoped3A : memref<!tpu.dma_semaphore, #tpu.memory_space<semaphore_mem>>)
          %dma_wait3A_98 = arith.constant 0 : i32
          %dma_wait3A_99 = tpu.memref_slice %arg2[%add3A_88, %dma_wait3A_98] : memref<4096x500xi32, #tpu.memory_space<hbm>> -> memref<1x500xi32, #tpu.memory_space<hbm>>
          %dma_wait3A_100 = tpu.memref_squeeze %dma_wait3A_99 : memref<1x500xi32, #tpu.memory_space<hbm>> -> memref<500xi32, #tpu.memory_space<hbm>>
          %dma_wait3A_101 = arith.constant 0 : i32
          %dma_wait3A_102 = tpu.memref_slice %arg2[%add3A_88, %dma_wait3A_101] : memref<4096x500xi32, #tpu.memory_space<hbm>> -> memref<1x500xi32, #tpu.memory_space<hbm>>
          %dma_wait3A_103 = tpu.memref_squeeze %dma_wait3A_102 : memref<1x500xi32, #tpu.memory_space<hbm>> -> memref<500xi32, #tpu.memory_space<hbm>>
          tpu.wait_dma2 semaphore(%run_scoped3A : memref<!tpu.dma_semaphore, #tpu.memory_space<semaphore_mem>>) src(%dma_wait3A_103 : memref<500xi32, #tpu.memory_space<hbm>>) dst(%arg7 : memref<500xi32, #tpu.memory_space<vmem>>)
          tpu.yield
        }) : () -> ()
        %dma_start3A_89 = arith.constant 0 : i32
        %dma_start3A_90 = arith.constant 0 : i32
        %dma_start3A_91 = tpu.memref_slice %arg3[%dma_start3A_89, %dma_start3A_90] : memref<300000x64xf32, #tpu.memory_space<hbm>> -> memref<300000x64xf32, #tpu.memory_space<hbm>>
        tpu.enqueue_indirect_dma source(%dma_start3A_91 : memref<300000x64xf32, #tpu.memory_space<hbm>>) target(%arg9 : memref<500x64xf32, #tpu.memory_space<vmem>>) offsets(%arg7 : memref<500xi32, #tpu.memory_space<vmem>>) semaphore(%arg12 : memref<!tpu.dma_semaphore, #tpu.memory_space<semaphore_mem>>)
      } else {
      }
      %scan3A_40 = arith.constant 0 : i32
      %scan3A_41 = arith.constant 0 : i32
      %scan3A_42 = arith.constant 500 : i32
      %scan3A_43 = arith.addi %scan3A_41, %scan3A_42 : i32
      %scan3A_44 = arith.constant 4 : i32
      scf.for %scan3A_82 = %scan3A_41 to %scan3A_43 step %scan3A_44  : i32 {
        %get3A = arith.index_cast %scan3A_82 : i32 to index
        %get3A_83 = arith.constant 0 : index
        %get3A_84 = tpu.vector_load %arg8[%get3A, %get3A_83] {strides = array<i32>} : memref<500x64xf32, #tpu.memory_space<vmem>>, vector<1x16xf32>,
        %get3A_85 = vector.shape_cast %get3A_84 : vector<1x16xf32> to vector<16xf32>
        %get3A_86 = arith.index_cast %scan3A_82 : i32 to index
        %get3A_87 = arith.constant 0 : index
        %get3A_88 = tpu.vector_load %arg10[%get3A_86, %get3A_87] {strides = array<i32>} : memref<500x64xf32, #tpu.memory_space<vmem>>, vector<1x16xf32>,
        %get3A_89 = vector.shape_cast %get3A_88 : vector<1x16xf32> to vector<16xf32>
        %add3A_90 = arith.addf %get3A_85, %get3A_89 : vector<16xf32>
        %swap3A = arith.index_cast %scan3A_82 : i32 to index
        %swap3A_91 = arith.constant 0 : index
        %swap3A_92 = tpu.vector_load %arg8[%swap3A, %swap3A_91] {strides = array<i32>} : memref<500x64xf32, #tpu.memory_space<vmem>>, vector<1x16xf32>,
        %swap3A_93 = vector.shape_cast %swap3A_92 : vector<1x16xf32> to vector<16xf32>
        %swap3A_94 = vector.shape_cast %add3A_90 : vector<16xf32> to vector<1x16xf32>
        tpu.vector_store %arg8[%swap3A, %swap3A_91], %swap3A_94 {strides = array<i32>} : memref<500x64xf32, #tpu.memory_space<vmem>>, vector<1x16xf32>,
        %get3A_95 = arith.index_cast %scan3A_82 : i32 to index
        %get3A_96 = arith.constant 16 : index
        %get3A_97 = tpu.vector_load %arg8[%get3A_95, %get3A_96] {strides = array<i32>} : memref<500x64xf32, #tpu.memory_space<vmem>>, vector<1x16xf32>,
        %get3A_98 = vector.shape_cast %get3A_97 : vector<1x16xf32> to vector<16xf32>
        %get3A_99 = arith.index_cast %scan3A_82 : i32 to index
        %get3A_100 = arith.constant 16 : index
        %get3A_101 = tpu.vector_load %arg10[%get3A_99, %get3A_100] {strides = array<i32>} : memref<500x64xf32, #tpu.memory_space<vmem>>, vector<1x16xf32>,
        %get3A_102 = vector.shape_cast %get3A_101 : vector<1x16xf32> to vector<16xf32>
        %add3A_103 = arith.addf %get3A_98, %get3A_102 : vector<16xf32>
        %swap3A_104 = arith.index_cast %scan3A_82 : i32 to index
        %swap3A_105 = arith.constant 16 : index
        %swap3A_106 = tpu.vector_load %arg8[%swap3A_104, %swap3A_105] {strides = array<i32>} : memref<500x64xf32, #tpu.memory_space<vmem>>, vector<1x16xf32>,
        %swap3A_107 = vector.shape_cast %swap3A_106 : vector<1x16xf32> to vector<16xf32>
        %swap3A_108 = vector.shape_cast %add3A_103 : vector<16xf32> to vector<1x16xf32>
        tpu.vector_store %arg8[%swap3A_104, %swap3A_105], %swap3A_108 {strides = array<i32>} : memref<500x64xf32, #tpu.memory_space<vmem>>, vector<1x16xf32>,
        %get3A_109 = arith.index_cast %scan3A_82 : i32 to index
        %get3A_110 = arith.constant 32 : index
        %get3A_111 = tpu.vector_load %arg8[%get3A_109, %get3A_110] {strides = array<i32>} : memref<500x64xf32, #tpu.memory_space<vmem>>, vector<1x16xf32>,
        %get3A_112 = vector.shape_cast %get3A_111 : vector<1x16xf32> to vector<16xf32>
        %get3A_113 = arith.index_cast %scan3A_82 : i32 to index
        %get3A_114 = arith.constant 32 : index
        %get3A_115 = tpu.vector_load %arg10[%get3A_113, %get3A_114] {strides = array<i32>} : memref<500x64xf32, #tpu.memory_space<vmem>>, vector<1x16xf32>,
        %get3A_116 = vector.shape_cast %get3A_115 : vector<1x16xf32> to vector<16xf32>
        %add3A_117 = arith.addf %get3A_112, %get3A_116 : vector<16xf32>
        %swap3A_118 = arith.index_cast %scan3A_82 : i32 to index
        %swap3A_119 = arith.constant 32 : index
        %swap3A_120 = tpu.vector_load %arg8[%swap3A_118, %swap3A_119] {strides = array<i32>} : memref<500x64xf32, #tpu.memory_space<vmem>>, vector<1x16xf32>,
        %swap3A_121 = vector.shape_cast %swap3A_120 : vector<1x16xf32> to vector<16xf32>
        %swap3A_122 = vector.shape_cast %add3A_117 : vector<16xf32> to vector<1x16xf32>
        tpu.vector_store %arg8[%swap3A_118, %swap3A_119], %swap3A_122 {strides = array<i32>} : memref<500x64xf32, #tpu.memory_space<vmem>>, vector<1x16xf32>,
        %get3A_123 = arith.index_cast %scan3A_82 : i32 to index
        %get3A_124 = arith.constant 48 : index
        %get3A_125 = tpu.vector_load %arg8[%get3A_123, %get3A_124] {strides = array<i32>} : memref<500x64xf32, #tpu.memory_space<vmem>>, vector<1x16xf32>,
        %get3A_126 = vector.shape_cast %get3A_125 : vector<1x16xf32> to vector<16xf32>
        %get3A_127 = arith.index_cast %scan3A_82 : i32 to index
        %get3A_128 = arith.constant 48 : index
        %get3A_129 = tpu.vector_load %arg10[%get3A_127, %get3A_128] {strides = array<i32>} : memref<500x64xf32, #tpu.memory_space<vmem>>, vector<1x16xf32>,
        %get3A_130 = vector.shape_cast %get3A_129 : vector<1x16xf32> to vector<16xf32>
        %add3A_131 = arith.addf %get3A_126, %get3A_130 : vector<16xf32>
        %swap3A_132 = arith.index_cast %scan3A_82 : i32 to index
        %swap3A_133 = arith.constant 48 : index
        %swap3A_134 = tpu.vector_load %arg8[%swap3A_132, %swap3A_133] {strides = array<i32>} : memref<500x64xf32, #tpu.memory_space<vmem>>, vector<1x16xf32>,
        %swap3A_135 = vector.shape_cast %swap3A_134 : vector<1x16xf32> to vector<16xf32>
        %swap3A_136 = vector.shape_cast %add3A_131 : vector<16xf32> to vector<1x16xf32>
        tpu.vector_store %arg8[%swap3A_132, %swap3A_133], %swap3A_136 {strides = array<i32>} : memref<500x64xf32, #tpu.memory_space<vmem>>, vector<1x16xf32>,
        %scan3A_137 = arith.constant 1 : i32
        %scan3A_138 = arith.addi %scan3A_82, %scan3A_137 : i32
        %get3A_139 = arith.index_cast %scan3A_138 : i32 to index
        %get3A_140 = arith.constant 0 : index
        %get3A_141 = tpu.vector_load %arg8[%get3A_139, %get3A_140] {strides = array<i32>} : memref<500x64xf32, #tpu.memory_space<vmem>>, vector<1x16xf32>,
        %get3A_142 = vector.shape_cast %get3A_141 : vector<1x16xf32> to vector<16xf32>
        %get3A_143 = arith.index_cast %scan3A_138 : i32 to index
        %get3A_144 = arith.constant 0 : index
        %get3A_145 = tpu.vector_load %arg10[%get3A_143, %get3A_144] {strides = array<i32>} : memref<500x64xf32, #tpu.memory_space<vmem>>, vector<1x16xf32>,
        %get3A_146 = vector.shape_cast %get3A_145 : vector<1x16xf32> to vector<16xf32>
        %add3A_147 = arith.addf %get3A_142, %get3A_146 : vector<16xf32>
        %swap3A_148 = arith.index_cast %scan3A_138 : i32 to index
        %swap3A_149 = arith.constant 0 : index
        %swap3A_150 = tpu.vector_load %arg8[%swap3A_148, %swap3A_149] {strides = array<i32>} : memref<500x64xf32, #tpu.memory_space<vmem>>, vector<1x16xf32>,
        %swap3A_151 = vector.shape_cast %swap3A_150 : vector<1x16xf32> to vector<16xf32>
        %swap3A_152 = vector.shape_cast %add3A_147 : vector<16xf32> to vector<1x16xf32>
        tpu.vector_store %arg8[%swap3A_148, %swap3A_149], %swap3A_152 {strides = array<i32>} : memref<500x64xf32, #tpu.memory_space<vmem>>, vector<1x16xf32>,
        %get3A_153 = arith.index_cast %scan3A_138 : i32 to index
        %get3A_154 = arith.constant 16 : index
        %get3A_155 = tpu.vector_load %arg8[%get3A_153, %get3A_154] {strides = array<i32>} : memref<500x64xf32, #tpu.memory_space<vmem>>, vector<1x16xf32>,
        %get3A_156 = vector.shape_cast %get3A_155 : vector<1x16xf32> to vector<16xf32>
        %get3A_157 = arith.index_cast %scan3A_138 : i32 to index
        %get3A_158 = arith.constant 16 : index
        %get3A_159 = tpu.vector_load %arg10[%get3A_157, %get3A_158] {strides = array<i32>} : memref<500x64xf32, #tpu.memory_space<vmem>>, vector<1x16xf32>,
        %get3A_160 = vector.shape_cast %get3A_159 : vector<1x16xf32> to vector<16xf32>
        %add3A_161 = arith.addf %get3A_156, %get3A_160 : vector<16xf32>
        %swap3A_162 = arith.index_cast %scan3A_138 : i32 to index
        %swap3A_163 = arith.constant 16 : index
        %swap3A_164 = tpu.vector_load %arg8[%swap3A_162, %swap3A_163] {strides = array<i32>} : memref<500x64xf32, #tpu.memory_space<vmem>>, vector<1x16xf32>,
        %swap3A_165 = vector.shape_cast %swap3A_164 : vector<1x16xf32> to vector<16xf32>
        %swap3A_166 = vector.shape_cast %add3A_161 : vector<16xf32> to vector<1x16xf32>
        tpu.vector_store %arg8[%swap3A_162, %swap3A_163], %swap3A_166 {strides = array<i32>} : memref<500x64xf32, #tpu.memory_space<vmem>>, vector<1x16xf32>,
        %get3A_167 = arith.index_cast %scan3A_138 : i32 to index
        %get3A_168 = arith.constant 32 : index
        %get3A_169 = tpu.vector_load %arg8[%get3A_167, %get3A_168] {strides = array<i32>} : memref<500x64xf32, #tpu.memory_space<vmem>>, vector<1x16xf32>,
        %get3A_170 = vector.shape_cast %get3A_169 : vector<1x16xf32> to vector<16xf32>
        %get3A_171 = arith.index_cast %scan3A_138 : i32 to index
        %get3A_172 = arith.constant 32 : index
        %get3A_173 = tpu.vector_load %arg10[%get3A_171, %get3A_172] {strides = array<i32>} : memref<500x64xf32, #tpu.memory_space<vmem>>, vector<1x16xf32>,
        %get3A_174 = vector.shape_cast %get3A_173 : vector<1x16xf32> to vector<16xf32>
        %add3A_175 = arith.addf %get3A_170, %get3A_174 : vector<16xf32>
        %swap3A_176 = arith.index_cast %scan3A_138 : i32 to index
        %swap3A_177 = arith.constant 32 : index
        %swap3A_178 = tpu.vector_load %arg8[%swap3A_176, %swap3A_177] {strides = array<i32>} : memref<500x64xf32, #tpu.memory_space<vmem>>, vector<1x16xf32>,
        %swap3A_179 = vector.shape_cast %swap3A_178 : vector<1x16xf32> to vector<16xf32>
        %swap3A_180 = vector.shape_cast %add3A_175 : vector<16xf32> to vector<1x16xf32>
        tpu.vector_store %arg8[%swap3A_176, %swap3A_177], %swap3A_180 {strides = array<i32>} : memref<500x64xf32, #tpu.memory_space<vmem>>, vector<1x16xf32>,
        %get3A_181 = arith.index_cast %scan3A_138 : i32 to index
        %get3A_182 = arith.constant 48 : index
        %get3A_183 = tpu.vector_load %arg8[%get3A_181, %get3A_182] {strides = array<i32>} : memref<500x64xf32, #tpu.memory_space<vmem>>, vector<1x16xf32>,
        %get3A_184 = vector.shape_cast %get3A_183 : vector<1x16xf32> to vector<16xf32>
        %get3A_185 = arith.index_cast %scan3A_138 : i32 to index
        %get3A_186 = arith.constant 48 : index
        %get3A_187 = tpu.vector_load %arg10[%get3A_185, %get3A_186] {strides = array<i32>} : memref<500x64xf32, #tpu.memory_space<vmem>>, vector<1x16xf32>,
        %get3A_188 = vector.shape_cast %get3A_187 : vector<1x16xf32> to vector<16xf32>
        %add3A_189 = arith.addf %get3A_184, %get3A_188 : vector<16xf32>
        %swap3A_190 = arith.index_cast %scan3A_138 : i32 to index
        %swap3A_191 = arith.constant 48 : index
        %swap3A_192 = tpu.vector_load %arg8[%swap3A_190, %swap3A_191] {strides = array<i32>} : memref<500x64xf32, #tpu.memory_space<vmem>>, vector<1x16xf32>,
        %swap3A_193 = vector.shape_cast %swap3A_192 : vector<1x16xf32> to vector<16xf32>
        %swap3A_194 = vector.shape_cast %add3A_189 : vector<16xf32> to vector<1x16xf32>
        tpu.vector_store %arg8[%swap3A_190, %swap3A_191], %swap3A_194 {strides = array<i32>} : memref<500x64xf32, #tpu.memory_space<vmem>>, vector<1x16xf32>,
        %scan3A_195 = arith.constant 2 : i32
        %scan3A_196 = arith.addi %scan3A_82, %scan3A_195 : i32
        %get3A_197 = arith.index_cast %scan3A_196 : i32 to index
        %get3A_198 = arith.constant 0 : index
        %get3A_199 = tpu.vector_load %arg8[%get3A_197, %get3A_198] {strides = array<i32>} : memref<500x64xf32, #tpu.memory_space<vmem>>, vector<1x16xf32>,
        %get3A_200 = vector.shape_cast %get3A_199 : vector<1x16xf32> to vector<16xf32>
        %get3A_201 = arith.index_cast %scan3A_196 : i32 to index
        %get3A_202 = arith.constant 0 : index
        %get3A_203 = tpu.vector_load %arg10[%get3A_201, %get3A_202] {strides = array<i32>} : memref<500x64xf32, #tpu.memory_space<vmem>>, vector<1x16xf32>,
        %get3A_204 = vector.shape_cast %get3A_203 : vector<1x16xf32> to vector<16xf32>
        %add3A_205 = arith.addf %get3A_200, %get3A_204 : vector<16xf32>
        %swap3A_206 = arith.index_cast %scan3A_196 : i32 to index
        %swap3A_207 = arith.constant 0 : index
        %swap3A_208 = tpu.vector_load %arg8[%swap3A_206, %swap3A_207] {strides = array<i32>} : memref<500x64xf32, #tpu.memory_space<vmem>>, vector<1x16xf32>,
        %swap3A_209 = vector.shape_cast %swap3A_208 : vector<1x16xf32> to vector<16xf32>
        %swap3A_210 = vector.shape_cast %add3A_205 : vector<16xf32> to vector<1x16xf32>
        tpu.vector_store %arg8[%swap3A_206, %swap3A_207], %swap3A_210 {strides = array<i32>} : memref<500x64xf32, #tpu.memory_space<vmem>>, vector<1x16xf32>,
        %get3A_211 = arith.index_cast %scan3A_196 : i32 to index
        %get3A_212 = arith.constant 16 : index
        %get3A_213 = tpu.vector_load %arg8[%get3A_211, %get3A_212] {strides = array<i32>} : memref<500x64xf32, #tpu.memory_space<vmem>>, vector<1x16xf32>,
        %get3A_214 = vector.shape_cast %get3A_213 : vector<1x16xf32> to vector<16xf32>
        %get3A_215 = arith.index_cast %scan3A_196 : i32 to index
        %get3A_216 = arith.constant 16 : index
        %get3A_217 = tpu.vector_load %arg10[%get3A_215, %get3A_216] {strides = array<i32>} : memref<500x64xf32, #tpu.memory_space<vmem>>, vector<1x16xf32>,
        %get3A_218 = vector.shape_cast %get3A_217 : vector<1x16xf32> to vector<16xf32>
        %add3A_219 = arith.addf %get3A_214, %get3A_218 : vector<16xf32>
        %swap3A_220 = arith.index_cast %scan3A_196 : i32 to index
        %swap3A_221 = arith.constant 16 : index
        %swap3A_222 = tpu.vector_load %arg8[%swap3A_220, %swap3A_221] {strides = array<i32>} : memref<500x64xf32, #tpu.memory_space<vmem>>, vector<1x16xf32>,
        %swap3A_223 = vector.shape_cast %swap3A_222 : vector<1x16xf32> to vector<16xf32>
        %swap3A_224 = vector.shape_cast %add3A_219 : vector<16xf32> to vector<1x16xf32>
        tpu.vector_store %arg8[%swap3A_220, %swap3A_221], %swap3A_224 {strides = array<i32>} : memref<500x64xf32, #tpu.memory_space<vmem>>, vector<1x16xf32>,
        %get3A_225 = arith.index_cast %scan3A_196 : i32 to index
        %get3A_226 = arith.constant 32 : index
        %get3A_227 = tpu.vector_load %arg8[%get3A_225, %get3A_226] {strides = array<i32>} : memref<500x64xf32, #tpu.memory_space<vmem>>, vector<1x16xf32>,
        %get3A_228 = vector.shape_cast %get3A_227 : vector<1x16xf32> to vector<16xf32>
        %get3A_229 = arith.index_cast %scan3A_196 : i32 to index
        %get3A_230 = arith.constant 32 : index
        %get3A_231 = tpu.vector_load %arg10[%get3A_229, %get3A_230] {strides = array<i32>} : memref<500x64xf32, #tpu.memory_space<vmem>>, vector<1x16xf32>,
        %get3A_232 = vector.shape_cast %get3A_231 : vector<1x16xf32> to vector<16xf32>
        %add3A_233 = arith.addf %get3A_228, %get3A_232 : vector<16xf32>
        %swap3A_234 = arith.index_cast %scan3A_196 : i32 to index
        %swap3A_235 = arith.constant 32 : index
        %swap3A_236 = tpu.vector_load %arg8[%swap3A_234, %swap3A_235] {strides = array<i32>} : memref<500x64xf32, #tpu.memory_space<vmem>>, vector<1x16xf32>,
        %swap3A_237 = vector.shape_cast %swap3A_236 : vector<1x16xf32> to vector<16xf32>
        %swap3A_238 = vector.shape_cast %add3A_233 : vector<16xf32> to vector<1x16xf32>
        tpu.vector_store %arg8[%swap3A_234, %swap3A_235], %swap3A_238 {strides = array<i32>} : memref<500x64xf32, #tpu.memory_space<vmem>>, vector<1x16xf32>,
        %get3A_239 = arith.index_cast %scan3A_196 : i32 to index
        %get3A_240 = arith.constant 48 : index
        %get3A_241 = tpu.vector_load %arg8[%get3A_239, %get3A_240] {strides = array<i32>} : memref<500x64xf32, #tpu.memory_space<vmem>>, vector<1x16xf32>,
        %get3A_242 = vector.shape_cast %get3A_241 : vector<1x16xf32> to vector<16xf32>
        %get3A_243 = arith.index_cast %scan3A_196 : i32 to index
        %get3A_244 = arith.constant 48 : index
        %get3A_245 = tpu.vector_load %arg10[%get3A_243, %get3A_244] {strides = array<i32>} : memref<500x64xf32, #tpu.memory_space<vmem>>, vector<1x16xf32>,
        %get3A_246 = vector.shape_cast %get3A_245 : vector<1x16xf32> to vector<16xf32>
        %add3A_247 = arith.addf %get3A_242, %get3A_246 : vector<16xf32>
        %swap3A_248 = arith.index_cast %scan3A_196 : i32 to index
        %swap3A_249 = arith.constant 48 : index
        %swap3A_250 = tpu.vector_load %arg8[%swap3A_248, %swap3A_249] {strides = array<i32>} : memref<500x64xf32, #tpu.memory_space<vmem>>, vector<1x16xf32>,
        %swap3A_251 = vector.shape_cast %swap3A_250 : vector<1x16xf32> to vector<16xf32>
        %swap3A_252 = vector.shape_cast %add3A_247 : vector<16xf32> to vector<1x16xf32>
        tpu.vector_store %arg8[%swap3A_248, %swap3A_249], %swap3A_252 {strides = array<i32>} : memref<500x64xf32, #tpu.memory_space<vmem>>, vector<1x16xf32>,
        %scan3A_253 = arith.constant 3 : i32
        %scan3A_254 = arith.addi %scan3A_82, %scan3A_253 : i32
        %get3A_255 = arith.index_cast %scan3A_254 : i32 to index
        %get3A_256 = arith.constant 0 : index
        %get3A_257 = tpu.vector_load %arg8[%get3A_255, %get3A_256] {strides = array<i32>} : memref<500x64xf32, #tpu.memory_space<vmem>>, vector<1x16xf32>,
        %get3A_258 = vector.shape_cast %get3A_257 : vector<1x16xf32> to vector<16xf32>
        %get3A_259 = arith.index_cast %scan3A_254 : i32 to index
        %get3A_260 = arith.constant 0 : index
        %get3A_261 = tpu.vector_load %arg10[%get3A_259, %get3A_260] {strides = array<i32>} : memref<500x64xf32, #tpu.memory_space<vmem>>, vector<1x16xf32>,
        %get3A_262 = vector.shape_cast %get3A_261 : vector<1x16xf32> to vector<16xf32>
        %add3A_263 = arith.addf %get3A_258, %get3A_262 : vector<16xf32>
        %swap3A_264 = arith.index_cast %scan3A_254 : i32 to index
        %swap3A_265 = arith.constant 0 : index
        %swap3A_266 = tpu.vector_load %arg8[%swap3A_264, %swap3A_265] {strides = array<i32>} : memref<500x64xf32, #tpu.memory_space<vmem>>, vector<1x16xf32>,
        %swap3A_267 = vector.shape_cast %swap3A_266 : vector<1x16xf32> to vector<16xf32>
        %swap3A_268 = vector.shape_cast %add3A_263 : vector<16xf32> to vector<1x16xf32>
        tpu.vector_store %arg8[%swap3A_264, %swap3A_265], %swap3A_268 {strides = array<i32>} : memref<500x64xf32, #tpu.memory_space<vmem>>, vector<1x16xf32>,
        %get3A_269 = arith.index_cast %scan3A_254 : i32 to index
        %get3A_270 = arith.constant 16 : index
        %get3A_271 = tpu.vector_load %arg8[%get3A_269, %get3A_270] {strides = array<i32>} : memref<500x64xf32, #tpu.memory_space<vmem>>, vector<1x16xf32>,
        %get3A_272 = vector.shape_cast %get3A_271 : vector<1x16xf32> to vector<16xf32>
        %get3A_273 = arith.index_cast %scan3A_254 : i32 to index
        %get3A_274 = arith.constant 16 : index
        %get3A_275 = tpu.vector_load %arg10[%get3A_273, %get3A_274] {strides = array<i32>} : memref<500x64xf32, #tpu.memory_space<vmem>>, vector<1x16xf32>,
        %get3A_276 = vector.shape_cast %get3A_275 : vector<1x16xf32> to vector<16xf32>
        %add3A_277 = arith.addf %get3A_272, %get3A_276 : vector<16xf32>
        %swap3A_278 = arith.index_cast %scan3A_254 : i32 to index
        %swap3A_279 = arith.constant 16 : index
        %swap3A_280 = tpu.vector_load %arg8[%swap3A_278, %swap3A_279] {strides = array<i32>} : memref<500x64xf32, #tpu.memory_space<vmem>>, vector<1x16xf32>,
        %swap3A_281 = vector.shape_cast %swap3A_280 : vector<1x16xf32> to vector<16xf32>
        %swap3A_282 = vector.shape_cast %add3A_277 : vector<16xf32> to vector<1x16xf32>
        tpu.vector_store %arg8[%swap3A_278, %swap3A_279], %swap3A_282 {strides = array<i32>} : memref<500x64xf32, #tpu.memory_space<vmem>>, vector<1x16xf32>,
        %get3A_283 = arith.index_cast %scan3A_254 : i32 to index
        %get3A_284 = arith.constant 32 : index
        %get3A_285 = tpu.vector_load %arg8[%get3A_283, %get3A_284] {strides = array<i32>} : memref<500x64xf32, #tpu.memory_space<vmem>>, vector<1x16xf32>,
        %get3A_286 = vector.shape_cast %get3A_285 : vector<1x16xf32> to vector<16xf32>
        %get3A_287 = arith.index_cast %scan3A_254 : i32 to index
        %get3A_288 = arith.constant 32 : index
        %get3A_289 = tpu.vector_load %arg10[%get3A_287, %get3A_288] {strides = array<i32>} : memref<500x64xf32, #tpu.memory_space<vmem>>, vector<1x16xf32>,
        %get3A_290 = vector.shape_cast %get3A_289 : vector<1x16xf32> to vector<16xf32>
        %add3A_291 = arith.addf %get3A_286, %get3A_290 : vector<16xf32>
        %swap3A_292 = arith.index_cast %scan3A_254 : i32 to index
        %swap3A_293 = arith.constant 32 : index
        %swap3A_294 = tpu.vector_load %arg8[%swap3A_292, %swap3A_293] {strides = array<i32>} : memref<500x64xf32, #tpu.memory_space<vmem>>, vector<1x16xf32>,
        %swap3A_295 = vector.shape_cast %swap3A_294 : vector<1x16xf32> to vector<16xf32>
        %swap3A_296 = vector.shape_cast %add3A_291 : vector<16xf32> to vector<1x16xf32>
        tpu.vector_store %arg8[%swap3A_292, %swap3A_293], %swap3A_296 {strides = array<i32>} : memref<500x64xf32, #tpu.memory_space<vmem>>, vector<1x16xf32>,
        %get3A_297 = arith.index_cast %scan3A_254 : i32 to index
        %get3A_298 = arith.constant 48 : index
        %get3A_299 = tpu.vector_load %arg8[%get3A_297, %get3A_298] {strides = array<i32>} : memref<500x64xf32, #tpu.memory_space<vmem>>, vector<1x16xf32>,
        %get3A_300 = vector.shape_cast %get3A_299 : vector<1x16xf32> to vector<16xf32>
        %get3A_301 = arith.index_cast %scan3A_254 : i32 to index
        %get3A_302 = arith.constant 48 : index
        %get3A_303 = tpu.vector_load %arg10[%get3A_301, %get3A_302] {strides = array<i32>} : memref<500x64xf32, #tpu.memory_space<vmem>>, vector<1x16xf32>,
        %get3A_304 = vector.shape_cast %get3A_303 : vector<1x16xf32> to vector<16xf32>
        %add3A_305 = arith.addf %get3A_300, %get3A_304 : vector<16xf32>
        %swap3A_306 = arith.index_cast %scan3A_254 : i32 to index
        %swap3A_307 = arith.constant 48 : index
        %swap3A_308 = tpu.vector_load %arg8[%swap3A_306, %swap3A_307] {strides = array<i32>} : memref<500x64xf32, #tpu.memory_space<vmem>>, vector<1x16xf32>,
        %swap3A_309 = vector.shape_cast %swap3A_308 : vector<1x16xf32> to vector<16xf32>
        %swap3A_310 = vector.shape_cast %add3A_305 : vector<16xf32> to vector<1x16xf32>
        tpu.vector_store %arg8[%swap3A_306, %swap3A_307], %swap3A_310 {strides = array<i32>} : memref<500x64xf32, #tpu.memory_space<vmem>>, vector<1x16xf32>,
      }
      %scan3A_45 = arith.constant 500 : i32
      %add3A_46 = arith.addi %mul3A_2, %mul3A_34 : i32
      %dma_start3A_47 = arith.constant 0 : i32
      %dma_start3A_48 = arith.constant 0 : i32
      %dma_start3A_49 = tpu.memref_slice %arg5[%add3A_46, %dma_start3A_47, %dma_start3A_48] : memref<4096x500x64xf32, #tpu.memory_space<hbm>> -> memref<1x500x64xf32, #tpu.memory_space<hbm>>
      %dma_start3A_50 = tpu.memref_squeeze %dma_start3A_49 : memref<1x500x64xf32, #tpu.memory_space<hbm>> -> memref<500x64xf32, #tpu.memory_space<hbm>>
      %dma_start3A_51 = arith.constant 0 : i32
      %dma_start3A_52 = arith.constant 0 : i32
      %dma_start3A_53 = tpu.memref_slice %arg5[%add3A_46, %dma_start3A_51, %dma_start3A_52] : memref<4096x500x64xf32, #tpu.memory_space<hbm>> -> memref<1x500x64xf32, #tpu.memory_space<hbm>>
      %dma_start3A_54 = tpu.memref_squeeze %dma_start3A_53 : memref<1x500x64xf32, #tpu.memory_space<hbm>> -> memref<500x64xf32, #tpu.memory_space<hbm>>
      tpu.enqueue_dma source(%arg8 : memref<500x64xf32, #tpu.memory_space<vmem>>) target(%dma_start3A_54 : memref<500x64xf32, #tpu.memory_space<hbm>>) target_semaphore(%arg13 : memref<!tpu.dma_semaphore, #tpu.memory_space<semaphore_mem>>)
      %mul3A_55 = arith.constant 2 : i32
      %mul3A_56 = arith.muli %mul3A_55, %scan3A_32 : i32
      %add3A_57 = arith.constant 1 : i32
      %add3A_58 = arith.addi %mul3A_56, %add3A_57 : i32
      %dma_wait3A_59 = arith.constant 0 : i32
      %dma_wait3A_60 = arith.constant 0 : i32
      %dma_wait3A_61 = tpu.memref_slice %arg3[%dma_wait3A_59, %dma_wait3A_60] : memref<300000x64xf32, #tpu.memory_space<hbm>> -> memref<300000x64xf32, #tpu.memory_space<hbm>>
      tpu.wait_indirect_dma semaphore(%arg12 : memref<!tpu.dma_semaphore, #tpu.memory_space<semaphore_mem>>) src(%dma_wait3A_61 : memref<300000x64xf32, #tpu.memory_space<hbm>>) dst(%arg9 : memref<500x64xf32, #tpu.memory_space<vmem>>)
      %lt3A_62 = arith.constant 127 : i32
      %lt3A_63 = arith.cmpi slt, %add3A_58, %lt3A_62 : i32
      %convert_element_type3A_64 = arith.extui %lt3A_63 : i1 to i32
      %cond3A_65 = arith.constant 0 : i32
      %cond3A_66 = arith.cmpi ne, %convert_element_type3A_64, %cond3A_65 : i32
      scf.if %cond3A_66 {
        %ge3A = arith.constant 1 : i32
        %ge3A_82 = arith.cmpi sge, %add3A_58, %ge3A : i32
        %convert_element_type3A_83 = arith.extui %ge3A_82 : i1 to i32
        %cond3A_84 = arith.constant 0 : i32
        %cond3A_85 = arith.cmpi ne, %convert_element_type3A_83, %cond3A_84 : i32
        scf.if %cond3A_85 {
          %add3A_92 = arith.addi %mul3A_2, %add3A_58 : i32
          %sub3A_93 = arith.constant 1 : i32
          %sub3A_94 = arith.subi %add3A_92, %sub3A_93 : i32
          %dma_wait3A_95 = arith.constant 0 : i32
          %dma_wait3A_96 = arith.constant 0 : i32
          %dma_wait3A_97 = tpu.memref_slice %arg5[%sub3A_94, %dma_wait3A_95, %dma_wait3A_96] : memref<4096x500x64xf32, #tpu.memory_space<hbm>> -> memref<1x500x64xf32, #tpu.memory_space<hbm>>
          %dma_wait3A_98 = tpu.memref_squeeze %dma_wait3A_97 : memref<1x500x64xf32, #tpu.memory_space<hbm>> -> memref<500x64xf32, #tpu.memory_space<hbm>>
          %dma_wait3A_99 = arith.constant 0 : i32
          %dma_wait3A_100 = arith.constant 0 : i32
          %dma_wait3A_101 = tpu.memref_slice %arg5[%sub3A_94, %dma_wait3A_99, %dma_wait3A_100] : memref<4096x500x64xf32, #tpu.memory_space<hbm>> -> memref<1x500x64xf32, #tpu.memory_space<hbm>>
          %dma_wait3A_102 = tpu.memref_squeeze %dma_wait3A_101 : memref<1x500x64xf32, #tpu.memory_space<hbm>> -> memref<500x64xf32, #tpu.memory_space<hbm>>
          tpu.wait_dma2 semaphore(%arg13 : memref<!tpu.dma_semaphore, #tpu.memory_space<semaphore_mem>>) src(%arg8 : memref<500x64xf32, #tpu.memory_space<vmem>>) dst(%dma_wait3A_102 : memref<500x64xf32, #tpu.memory_space<hbm>>)
        } else {
        }
        %add3A_86 = arith.addi %mul3A_2, %add3A_58 : i32
        %add3A_87 = arith.constant 1 : i32
        %add3A_88 = arith.addi %add3A_86, %add3A_87 : i32
        "tpu.region"() ({
          %run_scoped3A = tpu.sem_alloc : memref<!tpu.dma_semaphore, #tpu.memory_space<semaphore_mem>>
          %dma_start3A_92 = arith.constant 0 : i32
          %dma_start3A_93 = tpu.memref_slice %arg2[%add3A_88, %dma_start3A_92] : memref<4096x500xi32, #tpu.memory_space<hbm>> -> memref<1x500xi32, #tpu.memory_space<hbm>>
          %dma_start3A_94 = tpu.memref_squeeze %dma_start3A_93 : memref<1x500xi32, #tpu.memory_space<hbm>> -> memref<500xi32, #tpu.memory_space<hbm>>
          %dma_start3A_95 = arith.constant 0 : i32
          %dma_start3A_96 = tpu.memref_slice %arg2[%add3A_88, %dma_start3A_95] : memref<4096x500xi32, #tpu.memory_space<hbm>> -> memref<1x500xi32, #tpu.memory_space<hbm>>
          %dma_start3A_97 = tpu.memref_squeeze %dma_start3A_96 : memref<1x500xi32, #tpu.memory_space<hbm>> -> memref<500xi32, #tpu.memory_space<hbm>>
          tpu.enqueue_dma source(%dma_start3A_97 : memref<500xi32, #tpu.memory_space<hbm>>) target(%arg6 : memref<500xi32, #tpu.memory_space<vmem>>) target_semaphore(%run_scoped3A : memref<!tpu.dma_semaphore, #tpu.memory_space<semaphore_mem>>)
          %dma_wait3A_98 = arith.constant 0 : i32
          %dma_wait3A_99 = tpu.memref_slice %arg2[%add3A_88, %dma_wait3A_98] : memref<4096x500xi32, #tpu.memory_space<hbm>> -> memref<1x500xi32, #tpu.memory_space<hbm>>
          %dma_wait3A_100 = tpu.memref_squeeze %dma_wait3A_99 : memref<1x500xi32, #tpu.memory_space<hbm>> -> memref<500xi32, #tpu.memory_space<hbm>>
          %dma_wait3A_101 = arith.constant 0 : i32
          %dma_wait3A_102 = tpu.memref_slice %arg2[%add3A_88, %dma_wait3A_101] : memref<4096x500xi32, #tpu.memory_space<hbm>> -> memref<1x500xi32, #tpu.memory_space<hbm>>
          %dma_wait3A_103 = tpu.memref_squeeze %dma_wait3A_102 : memref<1x500xi32, #tpu.memory_space<hbm>> -> memref<500xi32, #tpu.memory_space<hbm>>
          tpu.wait_dma2 semaphore(%run_scoped3A : memref<!tpu.dma_semaphore, #tpu.memory_space<semaphore_mem>>) src(%dma_wait3A_103 : memref<500xi32, #tpu.memory_space<hbm>>) dst(%arg6 : memref<500xi32, #tpu.memory_space<vmem>>)
          tpu.yield
        }) : () -> ()
        %dma_start3A_89 = arith.constant 0 : i32
        %dma_start3A_90 = arith.constant 0 : i32
        %dma_start3A_91 = tpu.memref_slice %arg3[%dma_start3A_89, %dma_start3A_90] : memref<300000x64xf32, #tpu.memory_space<hbm>> -> memref<300000x64xf32, #tpu.memory_space<hbm>>
        tpu.enqueue_indirect_dma source(%dma_start3A_91 : memref<300000x64xf32, #tpu.memory_space<hbm>>) target(%arg8 : memref<500x64xf32, #tpu.memory_space<vmem>>) offsets(%arg6 : memref<500xi32, #tpu.memory_space<vmem>>) semaphore(%arg11 : memref<!tpu.dma_semaphore, #tpu.memory_space<semaphore_mem>>)
      } else {
      }
      %scan3A_67 = arith.constant 0 : i32
      %scan3A_68 = arith.constant 0 : i32
      %scan3A_69 = arith.constant 500 : i32
      %scan3A_70 = arith.addi %scan3A_68, %scan3A_69 : i32
      %scan3A_71 = arith.constant 4 : i32
      scf.for %scan3A_82 = %scan3A_68 to %scan3A_70 step %scan3A_71  : i32 {
        %get3A = arith.index_cast %scan3A_82 : i32 to index
        %get3A_83 = arith.constant 0 : index
        %get3A_84 = tpu.vector_load %arg9[%get3A, %get3A_83] {strides = array<i32>} : memref<500x64xf32, #tpu.memory_space<vmem>>, vector<1x16xf32>,
        %get3A_85 = vector.shape_cast %get3A_84 : vector<1x16xf32> to vector<16xf32>
        %get3A_86 = arith.index_cast %scan3A_82 : i32 to index
        %get3A_87 = arith.constant 0 : index
        %get3A_88 = tpu.vector_load %arg10[%get3A_86, %get3A_87] {strides = array<i32>} : memref<500x64xf32, #tpu.memory_space<vmem>>, vector<1x16xf32>,
        %get3A_89 = vector.shape_cast %get3A_88 : vector<1x16xf32> to vector<16xf32>
        %add3A_90 = arith.addf %get3A_85, %get3A_89 : vector<16xf32>
        %swap3A = arith.index_cast %scan3A_82 : i32 to index
        %swap3A_91 = arith.constant 0 : index
        %swap3A_92 = tpu.vector_load %arg9[%swap3A, %swap3A_91] {strides = array<i32>} : memref<500x64xf32, #tpu.memory_space<vmem>>, vector<1x16xf32>,
        %swap3A_93 = vector.shape_cast %swap3A_92 : vector<1x16xf32> to vector<16xf32>
        %swap3A_94 = vector.shape_cast %add3A_90 : vector<16xf32> to vector<1x16xf32>
        tpu.vector_store %arg9[%swap3A, %swap3A_91], %swap3A_94 {strides = array<i32>} : memref<500x64xf32, #tpu.memory_space<vmem>>, vector<1x16xf32>,
        %get3A_95 = arith.index_cast %scan3A_82 : i32 to index
        %get3A_96 = arith.constant 16 : index
        %get3A_97 = tpu.vector_load %arg9[%get3A_95, %get3A_96] {strides = array<i32>} : memref<500x64xf32, #tpu.memory_space<vmem>>, vector<1x16xf32>,
        %get3A_98 = vector.shape_cast %get3A_97 : vector<1x16xf32> to vector<16xf32>
        %get3A_99 = arith.index_cast %scan3A_82 : i32 to index
        %get3A_100 = arith.constant 16 : index
        %get3A_101 = tpu.vector_load %arg10[%get3A_99, %get3A_100] {strides = array<i32>} : memref<500x64xf32, #tpu.memory_space<vmem>>, vector<1x16xf32>,
        %get3A_102 = vector.shape_cast %get3A_101 : vector<1x16xf32> to vector<16xf32>
        %add3A_103 = arith.addf %get3A_98, %get3A_102 : vector<16xf32>
        %swap3A_104 = arith.index_cast %scan3A_82 : i32 to index
        %swap3A_105 = arith.constant 16 : index
        %swap3A_106 = tpu.vector_load %arg9[%swap3A_104, %swap3A_105] {strides = array<i32>} : memref<500x64xf32, #tpu.memory_space<vmem>>, vector<1x16xf32>,
        %swap3A_107 = vector.shape_cast %swap3A_106 : vector<1x16xf32> to vector<16xf32>
        %swap3A_108 = vector.shape_cast %add3A_103 : vector<16xf32> to vector<1x16xf32>
        tpu.vector_store %arg9[%swap3A_104, %swap3A_105], %swap3A_108 {strides = array<i32>} : memref<500x64xf32, #tpu.memory_space<vmem>>, vector<1x16xf32>,
        %get3A_109 = arith.index_cast %scan3A_82 : i32 to index
        %get3A_110 = arith.constant 32 : index
        %get3A_111 = tpu.vector_load %arg9[%get3A_109, %get3A_110] {strides = array<i32>} : memref<500x64xf32, #tpu.memory_space<vmem>>, vector<1x16xf32>,
        %get3A_112 = vector.shape_cast %get3A_111 : vector<1x16xf32> to vector<16xf32>
        %get3A_113 = arith.index_cast %scan3A_82 : i32 to index
        %get3A_114 = arith.constant 32 : index
        %get3A_115 = tpu.vector_load %arg10[%get3A_113, %get3A_114] {strides = array<i32>} : memref<500x64xf32, #tpu.memory_space<vmem>>, vector<1x16xf32>,
        %get3A_116 = vector.shape_cast %get3A_115 : vector<1x16xf32> to vector<16xf32>
        %add3A_117 = arith.addf %get3A_112, %get3A_116 : vector<16xf32>
        %swap3A_118 = arith.index_cast %scan3A_82 : i32 to index
        %swap3A_119 = arith.constant 32 : index
        %swap3A_120 = tpu.vector_load %arg9[%swap3A_118, %swap3A_119] {strides = array<i32>} : memref<500x64xf32, #tpu.memory_space<vmem>>, vector<1x16xf32>,
        %swap3A_121 = vector.shape_cast %swap3A_120 : vector<1x16xf32> to vector<16xf32>
        %swap3A_122 = vector.shape_cast %add3A_117 : vector<16xf32> to vector<1x16xf32>
        tpu.vector_store %arg9[%swap3A_118, %swap3A_119], %swap3A_122 {strides = array<i32>} : memref<500x64xf32, #tpu.memory_space<vmem>>, vector<1x16xf32>,
        %get3A_123 = arith.index_cast %scan3A_82 : i32 to index
        %get3A_124 = arith.constant 48 : index
        %get3A_125 = tpu.vector_load %arg9[%get3A_123, %get3A_124] {strides = array<i32>} : memref<500x64xf32, #tpu.memory_space<vmem>>, vector<1x16xf32>,
        %get3A_126 = vector.shape_cast %get3A_125 : vector<1x16xf32> to vector<16xf32>
        %get3A_127 = arith.index_cast %scan3A_82 : i32 to index
        %get3A_128 = arith.constant 48 : index
        %get3A_129 = tpu.vector_load %arg10[%get3A_127, %get3A_128] {strides = array<i32>} : memref<500x64xf32, #tpu.memory_space<vmem>>, vector<1x16xf32>,
        %get3A_130 = vector.shape_cast %get3A_129 : vector<1x16xf32> to vector<16xf32>
        %add3A_131 = arith.addf %get3A_126, %get3A_130 : vector<16xf32>
        %swap3A_132 = arith.index_cast %scan3A_82 : i32 to index
        %swap3A_133 = arith.constant 48 : index
        %swap3A_134 = tpu.vector_load %arg9[%swap3A_132, %swap3A_133] {strides = array<i32>} : memref<500x64xf32, #tpu.memory_space<vmem>>, vector<1x16xf32>,
        %swap3A_135 = vector.shape_cast %swap3A_134 : vector<1x16xf32> to vector<16xf32>
        %swap3A_136 = vector.shape_cast %add3A_131 : vector<16xf32> to vector<1x16xf32>
        tpu.vector_store %arg9[%swap3A_132, %swap3A_133], %swap3A_136 {strides = array<i32>} : memref<500x64xf32, #tpu.memory_space<vmem>>, vector<1x16xf32>,
        %scan3A_137 = arith.constant 1 : i32
        %scan3A_138 = arith.addi %scan3A_82, %scan3A_137 : i32
        %get3A_139 = arith.index_cast %scan3A_138 : i32 to index
        %get3A_140 = arith.constant 0 : index
        %get3A_141 = tpu.vector_load %arg9[%get3A_139, %get3A_140] {strides = array<i32>} : memref<500x64xf32, #tpu.memory_space<vmem>>, vector<1x16xf32>,
        %get3A_142 = vector.shape_cast %get3A_141 : vector<1x16xf32> to vector<16xf32>
        %get3A_143 = arith.index_cast %scan3A_138 : i32 to index
        %get3A_144 = arith.constant 0 : index
        %get3A_145 = tpu.vector_load %arg10[%get3A_143, %get3A_144] {strides = array<i32>} : memref<500x64xf32, #tpu.memory_space<vmem>>, vector<1x16xf32>,
        %get3A_146 = vector.shape_cast %get3A_145 : vector<1x16xf32> to vector<16xf32>
        %add3A_147 = arith.addf %get3A_142, %get3A_146 : vector<16xf32>
        %swap3A_148 = arith.index_cast %scan3A_138 : i32 to index
        %swap3A_149 = arith.constant 0 : index
        %swap3A_150 = tpu.vector_load %arg9[%swap3A_148, %swap3A_149] {strides = array<i32>} : memref<500x64xf32, #tpu.memory_space<vmem>>, vector<1x16xf32>,
        %swap3A_151 = vector.shape_cast %swap3A_150 : vector<1x16xf32> to vector<16xf32>
        %swap3A_152 = vector.shape_cast %add3A_147 : vector<16xf32> to vector<1x16xf32>
        tpu.vector_store %arg9[%swap3A_148, %swap3A_149], %swap3A_152 {strides = array<i32>} : memref<500x64xf32, #tpu.memory_space<vmem>>, vector<1x16xf32>,
        %get3A_153 = arith.index_cast %scan3A_138 : i32 to index
        %get3A_154 = arith.constant 16 : index
        %get3A_155 = tpu.vector_load %arg9[%get3A_153, %get3A_154] {strides = array<i32>} : memref<500x64xf32, #tpu.memory_space<vmem>>, vector<1x16xf32>,
        %get3A_156 = vector.shape_cast %get3A_155 : vector<1x16xf32> to vector<16xf32>
        %get3A_157 = arith.index_cast %scan3A_138 : i32 to index
        %get3A_158 = arith.constant 16 : index
        %get3A_159 = tpu.vector_load %arg10[%get3A_157, %get3A_158] {strides = array<i32>} : memref<500x64xf32, #tpu.memory_space<vmem>>, vector<1x16xf32>,
        %get3A_160 = vector.shape_cast %get3A_159 : vector<1x16xf32> to vector<16xf32>
        %add3A_161 = arith.addf %get3A_156, %get3A_160 : vector<16xf32>
        %swap3A_162 = arith.index_cast %scan3A_138 : i32 to index
        %swap3A_163 = arith.constant 16 : index
        %swap3A_164 = tpu.vector_load %arg9[%swap3A_162, %swap3A_163] {strides = array<i32>} : memref<500x64xf32, #tpu.memory_space<vmem>>, vector<1x16xf32>,
        %swap3A_165 = vector.shape_cast %swap3A_164 : vector<1x16xf32> to vector<16xf32>
        %swap3A_166 = vector.shape_cast %add3A_161 : vector<16xf32> to vector<1x16xf32>
        tpu.vector_store %arg9[%swap3A_162, %swap3A_163], %swap3A_166 {strides = array<i32>} : memref<500x64xf32, #tpu.memory_space<vmem>>, vector<1x16xf32>,
        %get3A_167 = arith.index_cast %scan3A_138 : i32 to index
        %get3A_168 = arith.constant 32 : index
        %get3A_169 = tpu.vector_load %arg9[%get3A_167, %get3A_168] {strides = array<i32>} : memref<500x64xf32, #tpu.memory_space<vmem>>, vector<1x16xf32>,
        %get3A_170 = vector.shape_cast %get3A_169 : vector<1x16xf32> to vector<16xf32>
        %get3A_171 = arith.index_cast %scan3A_138 : i32 to index
        %get3A_172 = arith.constant 32 : index
        %get3A_173 = tpu.vector_load %arg10[%get3A_171, %get3A_172] {strides = array<i32>} : memref<500x64xf32, #tpu.memory_space<vmem>>, vector<1x16xf32>,
        %get3A_174 = vector.shape_cast %get3A_173 : vector<1x16xf32> to vector<16xf32>
        %add3A_175 = arith.addf %get3A_170, %get3A_174 : vector<16xf32>
        %swap3A_176 = arith.index_cast %scan3A_138 : i32 to index
        %swap3A_177 = arith.constant 32 : index
        %swap3A_178 = tpu.vector_load %arg9[%swap3A_176, %swap3A_177] {strides = array<i32>} : memref<500x64xf32, #tpu.memory_space<vmem>>, vector<1x16xf32>,
        %swap3A_179 = vector.shape_cast %swap3A_178 : vector<1x16xf32> to vector<16xf32>
        %swap3A_180 = vector.shape_cast %add3A_175 : vector<16xf32> to vector<1x16xf32>
        tpu.vector_store %arg9[%swap3A_176, %swap3A_177], %swap3A_180 {strides = array<i32>} : memref<500x64xf32, #tpu.memory_space<vmem>>, vector<1x16xf32>,
        %get3A_181 = arith.index_cast %scan3A_138 : i32 to index
        %get3A_182 = arith.constant 48 : index
        %get3A_183 = tpu.vector_load %arg9[%get3A_181, %get3A_182] {strides = array<i32>} : memref<500x64xf32, #tpu.memory_space<vmem>>, vector<1x16xf32>,
        %get3A_184 = vector.shape_cast %get3A_183 : vector<1x16xf32> to vector<16xf32>
        %get3A_185 = arith.index_cast %scan3A_138 : i32 to index
        %get3A_186 = arith.constant 48 : index
        %get3A_187 = tpu.vector_load %arg10[%get3A_185, %get3A_186] {strides = array<i32>} : memref<500x64xf32, #tpu.memory_space<vmem>>, vector<1x16xf32>,
        %get3A_188 = vector.shape_cast %get3A_187 : vector<1x16xf32> to vector<16xf32>
        %add3A_189 = arith.addf %get3A_184, %get3A_188 : vector<16xf32>
        %swap3A_190 = arith.index_cast %scan3A_138 : i32 to index
        %swap3A_191 = arith.constant 48 : index
        %swap3A_192 = tpu.vector_load %arg9[%swap3A_190, %swap3A_191] {strides = array<i32>} : memref<500x64xf32, #tpu.memory_space<vmem>>, vector<1x16xf32>,
        %swap3A_193 = vector.shape_cast %swap3A_192 : vector<1x16xf32> to vector<16xf32>
        %swap3A_194 = vector.shape_cast %add3A_189 : vector<16xf32> to vector<1x16xf32>
        tpu.vector_store %arg9[%swap3A_190, %swap3A_191], %swap3A_194 {strides = array<i32>} : memref<500x64xf32, #tpu.memory_space<vmem>>, vector<1x16xf32>,
        %scan3A_195 = arith.constant 2 : i32
        %scan3A_196 = arith.addi %scan3A_82, %scan3A_195 : i32
        %get3A_197 = arith.index_cast %scan3A_196 : i32 to index
        %get3A_198 = arith.constant 0 : index
        %get3A_199 = tpu.vector_load %arg9[%get3A_197, %get3A_198] {strides = array<i32>} : memref<500x64xf32, #tpu.memory_space<vmem>>, vector<1x16xf32>,
        %get3A_200 = vector.shape_cast %get3A_199 : vector<1x16xf32> to vector<16xf32>
        %get3A_201 = arith.index_cast %scan3A_196 : i32 to index
        %get3A_202 = arith.constant 0 : index
        %get3A_203 = tpu.vector_load %arg10[%get3A_201, %get3A_202] {strides = array<i32>} : memref<500x64xf32, #tpu.memory_space<vmem>>, vector<1x16xf32>,
        %get3A_204 = vector.shape_cast %get3A_203 : vector<1x16xf32> to vector<16xf32>
        %add3A_205 = arith.addf %get3A_200, %get3A_204 : vector<16xf32>
        %swap3A_206 = arith.index_cast %scan3A_196 : i32 to index
        %swap3A_207 = arith.constant 0 : index
        %swap3A_208 = tpu.vector_load %arg9[%swap3A_206, %swap3A_207] {strides = array<i32>} : memref<500x64xf32, #tpu.memory_space<vmem>>, vector<1x16xf32>,
        %swap3A_209 = vector.shape_cast %swap3A_208 : vector<1x16xf32> to vector<16xf32>
        %swap3A_210 = vector.shape_cast %add3A_205 : vector<16xf32> to vector<1x16xf32>
        tpu.vector_store %arg9[%swap3A_206, %swap3A_207], %swap3A_210 {strides = array<i32>} : memref<500x64xf32, #tpu.memory_space<vmem>>, vector<1x16xf32>,
        %get3A_211 = arith.index_cast %scan3A_196 : i32 to index
        %get3A_212 = arith.constant 16 : index
        %get3A_213 = tpu.vector_load %arg9[%get3A_211, %get3A_212] {strides = array<i32>} : memref<500x64xf32, #tpu.memory_space<vmem>>, vector<1x16xf32>,
        %get3A_214 = vector.shape_cast %get3A_213 : vector<1x16xf32> to vector<16xf32>
        %get3A_215 = arith.index_cast %scan3A_196 : i32 to index
        %get3A_216 = arith.constant 16 : index
        %get3A_217 = tpu.vector_load %arg10[%get3A_215, %get3A_216] {strides = array<i32>} : memref<500x64xf32, #tpu.memory_space<vmem>>, vector<1x16xf32>,
        %get3A_218 = vector.shape_cast %get3A_217 : vector<1x16xf32> to vector<16xf32>
        %add3A_219 = arith.addf %get3A_214, %get3A_218 : vector<16xf32>
        %swap3A_220 = arith.index_cast %scan3A_196 : i32 to index
        %swap3A_221 = arith.constant 16 : index
        %swap3A_222 = tpu.vector_load %arg9[%swap3A_220, %swap3A_221] {strides = array<i32>} : memref<500x64xf32, #tpu.memory_space<vmem>>, vector<1x16xf32>,
        %swap3A_223 = vector.shape_cast %swap3A_222 : vector<1x16xf32> to vector<16xf32>
        %swap3A_224 = vector.shape_cast %add3A_219 : vector<16xf32> to vector<1x16xf32>
        tpu.vector_store %arg9[%swap3A_220, %swap3A_221], %swap3A_224 {strides = array<i32>} : memref<500x64xf32, #tpu.memory_space<vmem>>, vector<1x16xf32>,
        %get3A_225 = arith.index_cast %scan3A_196 : i32 to index
        %get3A_226 = arith.constant 32 : index
        %get3A_227 = tpu.vector_load %arg9[%get3A_225, %get3A_226] {strides = array<i32>} : memref<500x64xf32, #tpu.memory_space<vmem>>, vector<1x16xf32>,
        %get3A_228 = vector.shape_cast %get3A_227 : vector<1x16xf32> to vector<16xf32>
        %get3A_229 = arith.index_cast %scan3A_196 : i32 to index
        %get3A_230 = arith.constant 32 : index
        %get3A_231 = tpu.vector_load %arg10[%get3A_229, %get3A_230] {strides = array<i32>} : memref<500x64xf32, #tpu.memory_space<vmem>>, vector<1x16xf32>,
        %get3A_232 = vector.shape_cast %get3A_231 : vector<1x16xf32> to vector<16xf32>
        %add3A_233 = arith.addf %get3A_228, %get3A_232 : vector<16xf32>
        %swap3A_234 = arith.index_cast %scan3A_196 : i32 to index
        %swap3A_235 = arith.constant 32 : index
        %swap3A_236 = tpu.vector_load %arg9[%swap3A_234, %swap3A_235] {strides = array<i32>} : memref<500x64xf32, #tpu.memory_space<vmem>>, vector<1x16xf32>,
        %swap3A_237 = vector.shape_cast %swap3A_236 : vector<1x16xf32> to vector<16xf32>
        %swap3A_238 = vector.shape_cast %add3A_233 : vector<16xf32> to vector<1x16xf32>
        tpu.vector_store %arg9[%swap3A_234, %swap3A_235], %swap3A_238 {strides = array<i32>} : memref<500x64xf32, #tpu.memory_space<vmem>>, vector<1x16xf32>,
        %get3A_239 = arith.index_cast %scan3A_196 : i32 to index
        %get3A_240 = arith.constant 48 : index
        %get3A_241 = tpu.vector_load %arg9[%get3A_239, %get3A_240] {strides = array<i32>} : memref<500x64xf32, #tpu.memory_space<vmem>>, vector<1x16xf32>,
        %get3A_242 = vector.shape_cast %get3A_241 : vector<1x16xf32> to vector<16xf32>
        %get3A_243 = arith.index_cast %scan3A_196 : i32 to index
        %get3A_244 = arith.constant 48 : index
        %get3A_245 = tpu.vector_load %arg10[%get3A_243, %get3A_244] {strides = array<i32>} : memref<500x64xf32, #tpu.memory_space<vmem>>, vector<1x16xf32>,
        %get3A_246 = vector.shape_cast %get3A_245 : vector<1x16xf32> to vector<16xf32>
        %add3A_247 = arith.addf %get3A_242, %get3A_246 : vector<16xf32>
        %swap3A_248 = arith.index_cast %scan3A_196 : i32 to index
        %swap3A_249 = arith.constant 48 : index
        %swap3A_250 = tpu.vector_load %arg9[%swap3A_248, %swap3A_249] {strides = array<i32>} : memref<500x64xf32, #tpu.memory_space<vmem>>, vector<1x16xf32>,
        %swap3A_251 = vector.shape_cast %swap3A_250 : vector<1x16xf32> to vector<16xf32>
        %swap3A_252 = vector.shape_cast %add3A_247 : vector<16xf32> to vector<1x16xf32>
        tpu.vector_store %arg9[%swap3A_248, %swap3A_249], %swap3A_252 {strides = array<i32>} : memref<500x64xf32, #tpu.memory_space<vmem>>, vector<1x16xf32>,
        %scan3A_253 = arith.constant 3 : i32
        %scan3A_254 = arith.addi %scan3A_82, %scan3A_253 : i32
        %get3A_255 = arith.index_cast %scan3A_254 : i32 to index
        %get3A_256 = arith.constant 0 : index
        %get3A_257 = tpu.vector_load %arg9[%get3A_255, %get3A_256] {strides = array<i32>} : memref<500x64xf32, #tpu.memory_space<vmem>>, vector<1x16xf32>,
        %get3A_258 = vector.shape_cast %get3A_257 : vector<1x16xf32> to vector<16xf32>
        %get3A_259 = arith.index_cast %scan3A_254 : i32 to index
        %get3A_260 = arith.constant 0 : index
        %get3A_261 = tpu.vector_load %arg10[%get3A_259, %get3A_260] {strides = array<i32>} : memref<500x64xf32, #tpu.memory_space<vmem>>, vector<1x16xf32>,
        %get3A_262 = vector.shape_cast %get3A_261 : vector<1x16xf32> to vector<16xf32>
        %add3A_263 = arith.addf %get3A_258, %get3A_262 : vector<16xf32>
        %swap3A_264 = arith.index_cast %scan3A_254 : i32 to index
        %swap3A_265 = arith.constant 0 : index
        %swap3A_266 = tpu.vector_load %arg9[%swap3A_264, %swap3A_265] {strides = array<i32>} : memref<500x64xf32, #tpu.memory_space<vmem>>, vector<1x16xf32>,
        %swap3A_267 = vector.shape_cast %swap3A_266 : vector<1x16xf32> to vector<16xf32>
        %swap3A_268 = vector.shape_cast %add3A_263 : vector<16xf32> to vector<1x16xf32>
        tpu.vector_store %arg9[%swap3A_264, %swap3A_265], %swap3A_268 {strides = array<i32>} : memref<500x64xf32, #tpu.memory_space<vmem>>, vector<1x16xf32>,
        %get3A_269 = arith.index_cast %scan3A_254 : i32 to index
        %get3A_270 = arith.constant 16 : index
        %get3A_271 = tpu.vector_load %arg9[%get3A_269, %get3A_270] {strides = array<i32>} : memref<500x64xf32, #tpu.memory_space<vmem>>, vector<1x16xf32>,
        %get3A_272 = vector.shape_cast %get3A_271 : vector<1x16xf32> to vector<16xf32>
        %get3A_273 = arith.index_cast %scan3A_254 : i32 to index
        %get3A_274 = arith.constant 16 : index
        %get3A_275 = tpu.vector_load %arg10[%get3A_273, %get3A_274] {strides = array<i32>} : memref<500x64xf32, #tpu.memory_space<vmem>>, vector<1x16xf32>,
        %get3A_276 = vector.shape_cast %get3A_275 : vector<1x16xf32> to vector<16xf32>
        %add3A_277 = arith.addf %get3A_272, %get3A_276 : vector<16xf32>
        %swap3A_278 = arith.index_cast %scan3A_254 : i32 to index
        %swap3A_279 = arith.constant 16 : index
        %swap3A_280 = tpu.vector_load %arg9[%swap3A_278, %swap3A_279] {strides = array<i32>} : memref<500x64xf32, #tpu.memory_space<vmem>>, vector<1x16xf32>,
        %swap3A_281 = vector.shape_cast %swap3A_280 : vector<1x16xf32> to vector<16xf32>
        %swap3A_282 = vector.shape_cast %add3A_277 : vector<16xf32> to vector<1x16xf32>
        tpu.vector_store %arg9[%swap3A_278, %swap3A_279], %swap3A_282 {strides = array<i32>} : memref<500x64xf32, #tpu.memory_space<vmem>>, vector<1x16xf32>,
        %get3A_283 = arith.index_cast %scan3A_254 : i32 to index
        %get3A_284 = arith.constant 32 : index
        %get3A_285 = tpu.vector_load %arg9[%get3A_283, %get3A_284] {strides = array<i32>} : memref<500x64xf32, #tpu.memory_space<vmem>>, vector<1x16xf32>,
        %get3A_286 = vector.shape_cast %get3A_285 : vector<1x16xf32> to vector<16xf32>
        %get3A_287 = arith.index_cast %scan3A_254 : i32 to index
        %get3A_288 = arith.constant 32 : index
        %get3A_289 = tpu.vector_load %arg10[%get3A_287, %get3A_288] {strides = array<i32>} : memref<500x64xf32, #tpu.memory_space<vmem>>, vector<1x16xf32>,
        %get3A_290 = vector.shape_cast %get3A_289 : vector<1x16xf32> to vector<16xf32>
        %add3A_291 = arith.addf %get3A_286, %get3A_290 : vector<16xf32>
        %swap3A_292 = arith.index_cast %scan3A_254 : i32 to index
        %swap3A_293 = arith.constant 32 : index
        %swap3A_294 = tpu.vector_load %arg9[%swap3A_292, %swap3A_293] {strides = array<i32>} : memref<500x64xf32, #tpu.memory_space<vmem>>, vector<1x16xf32>,
        %swap3A_295 = vector.shape_cast %swap3A_294 : vector<1x16xf32> to vector<16xf32>
        %swap3A_296 = vector.shape_cast %add3A_291 : vector<16xf32> to vector<1x16xf32>
        tpu.vector_store %arg9[%swap3A_292, %swap3A_293], %swap3A_296 {strides = array<i32>} : memref<500x64xf32, #tpu.memory_space<vmem>>, vector<1x16xf32>,
        %get3A_297 = arith.index_cast %scan3A_254 : i32 to index
        %get3A_298 = arith.constant 48 : index
        %get3A_299 = tpu.vector_load %arg9[%get3A_297, %get3A_298] {strides = array<i32>} : memref<500x64xf32, #tpu.memory_space<vmem>>, vector<1x16xf32>,
        %get3A_300 = vector.shape_cast %get3A_299 : vector<1x16xf32> to vector<16xf32>
        %get3A_301 = arith.index_cast %scan3A_254 : i32 to index
        %get3A_302 = arith.constant 48 : index
        %get3A_303 = tpu.vector_load %arg10[%get3A_301, %get3A_302] {strides = array<i32>} : memref<500x64xf32, #tpu.memory_space<vmem>>, vector<1x16xf32>,
        %get3A_304 = vector.shape_cast %get3A_303 : vector<1x16xf32> to vector<16xf32>
        %add3A_305 = arith.addf %get3A_300, %get3A_304 : vector<16xf32>
        %swap3A_306 = arith.index_cast %scan3A_254 : i32 to index
        %swap3A_307 = arith.constant 48 : index
        %swap3A_308 = tpu.vector_load %arg9[%swap3A_306, %swap3A_307] {strides = array<i32>} : memref<500x64xf32, #tpu.memory_space<vmem>>, vector<1x16xf32>,
        %swap3A_309 = vector.shape_cast %swap3A_308 : vector<1x16xf32> to vector<16xf32>
        %swap3A_310 = vector.shape_cast %add3A_305 : vector<16xf32> to vector<1x16xf32>
        tpu.vector_store %arg9[%swap3A_306, %swap3A_307], %swap3A_310 {strides = array<i32>} : memref<500x64xf32, #tpu.memory_space<vmem>>, vector<1x16xf32>,
      }
      %scan3A_72 = arith.constant 500 : i32
      %add3A_73 = arith.addi %mul3A_2, %add3A_58 : i32
      %dma_start3A_74 = arith.constant 0 : i32
      %dma_start3A_75 = arith.constant 0 : i32
      %dma_start3A_76 = tpu.memref_slice %arg5[%add3A_73, %dma_start3A_74, %dma_start3A_75] : memref<4096x500x64xf32, #tpu.memory_space<hbm>> -> memref<1x500x64xf32, #tpu.memory_space<hbm>>
      %dma_start3A_77 = tpu.memref_squeeze %dma_start3A_76 : memref<1x500x64xf32, #tpu.memory_space<hbm>> -> memref<500x64xf32, #tpu.memory_space<hbm>>
      %dma_start3A_78 = arith.constant 0 : i32
      %dma_start3A_79 = arith.constant 0 : i32
      %dma_start3A_80 = tpu.memref_slice %arg5[%add3A_73, %dma_start3A_78, %dma_start3A_79] : memref<4096x500x64xf32, #tpu.memory_space<hbm>> -> memref<1x500x64xf32, #tpu.memory_space<hbm>>
      %dma_start3A_81 = tpu.memref_squeeze %dma_start3A_80 : memref<1x500x64xf32, #tpu.memory_space<hbm>> -> memref<500x64xf32, #tpu.memory_space<hbm>>
      tpu.enqueue_dma source(%arg9 : memref<500x64xf32, #tpu.memory_space<vmem>>) target(%dma_start3A_81 : memref<500x64xf32, #tpu.memory_space<hbm>>) target_semaphore(%arg14 : memref<!tpu.dma_semaphore, #tpu.memory_space<semaphore_mem>>)
    }
    %scan3A_9 = arith.constant 64 : i32
    %add3A_10 = arith.constant 128 : i32
    %add3A_11 = arith.addi %mul3A_2, %add3A_10 : i32
    %sub3A = arith.constant 2 : i32
    %sub3A_12 = arith.subi %add3A_11, %sub3A : i32
    %dma_wait3A = arith.constant 0 : i32
    %dma_wait3A_13 = arith.constant 0 : i32
    %dma_wait3A_14 = tpu.memref_slice %arg5[%sub3A_12, %dma_wait3A, %dma_wait3A_13] : memref<4096x500x64xf32, #tpu.memory_space<hbm>> -> memref<1x500x64xf32, #tpu.memory_space<hbm>>
    %dma_wait3A_15 = tpu.memref_squeeze %dma_wait3A_14 : memref<1x500x64xf32, #tpu.memory_space<hbm>> -> memref<500x64xf32, #tpu.memory_space<hbm>>
    %dma_wait3A_16 = arith.constant 0 : i32
    %dma_wait3A_17 = arith.constant 0 : i32
    %dma_wait3A_18 = tpu.memref_slice %arg5[%sub3A_12, %dma_wait3A_16, %dma_wait3A_17] : memref<4096x500x64xf32, #tpu.memory_space<hbm>> -> memref<1x500x64xf32, #tpu.memory_space<hbm>>
    %dma_wait3A_19 = tpu.memref_squeeze %dma_wait3A_18 : memref<1x500x64xf32, #tpu.memory_space<hbm>> -> memref<500x64xf32, #tpu.memory_space<hbm>>
    tpu.wait_dma2 semaphore(%arg13 : memref<!tpu.dma_semaphore, #tpu.memory_space<semaphore_mem>>) src(%arg8 : memref<500x64xf32, #tpu.memory_space<vmem>>) dst(%dma_wait3A_19 : memref<500x64xf32, #tpu.memory_space<hbm>>)
    %add3A_20 = arith.constant 128 : i32
    %add3A_21 = arith.addi %mul3A_2, %add3A_20 : i32
    %sub3A_22 = arith.constant 1 : i32
    %sub3A_23 = arith.subi %add3A_21, %sub3A_22 : i32
    %dma_wait3A_24 = arith.constant 0 : i32
    %dma_wait3A_25 = arith.constant 0 : i32
    %dma_wait3A_26 = tpu.memref_slice %arg5[%sub3A_23, %dma_wait3A_24, %dma_wait3A_25] : memref<4096x500x64xf32, #tpu.memory_space<hbm>> -> memref<1x500x64xf32, #tpu.memory_space<hbm>>
    %dma_wait3A_27 = tpu.memref_squeeze %dma_wait3A_26 : memref<1x500x64xf32, #tpu.memory_space<hbm>> -> memref<500x64xf32, #tpu.memory_space<hbm>>
    %dma_wait3A_28 = arith.constant 0 : i32
    %dma_wait3A_29 = arith.constant 0 : i32
    %dma_wait3A_30 = tpu.memref_slice %arg5[%sub3A_23, %dma_wait3A_28, %dma_wait3A_29] : memref<4096x500x64xf32, #tpu.memory_space<hbm>> -> memref<1x500x64xf32, #tpu.memory_space<hbm>>
    %dma_wait3A_31 = tpu.memref_squeeze %dma_wait3A_30 : memref<1x500x64xf32, #tpu.memory_space<hbm>> -> memref<500x64xf32, #tpu.memory_space<hbm>>
    tpu.wait_dma2 semaphore(%arg14 : memref<!tpu.dma_semaphore, #tpu.memory_space<semaphore_mem>>) src(%arg9 : memref<500x64xf32, #tpu.memory_space<vmem>>) dst(%dma_wait3A_31 : memref<500x64xf32, #tpu.memory_space<hbm>>)
    return
  }
}

</mosaic_0001>

<sc_bundles>
// kernel: kernel.3.cloned.1.call-start
scs
__scs_entry_jumppad:
0x0: {  	(pc) =	sbr.rel $0x88, $3  }
0x1: {  	(tag) =	ssettag $0x0;
	lr =	simm.s32 $0x1  }
0x2: {  	[smem:$0x3F9E] =	sst lr;
	_ =	strace $0xD0000000  }
0x3: {  	_ = 	snop  }
0x4: {  	_ = 	snop  }
0x5: {  	_ = 	snop  }
0x6: {  	_ = 	snop  }
0x7: {  	_ = 	snop  }
__scs_overlays_trampoline_lowered:
0x8: {  	[smem:$0x3FAD] =	sst s0  }
0x9: {  	[smem:$0x3FAE] =	sst s1  }
0xa: {  	[smem:$0x3FAF] =	sst s2  }
0xb: {  	[smem:$0x3FB0] =	sst s3  }
0xc: {  	[smem:$0x3FB1] =	sst s4  }
0xd: {  	[smem:$0x3FB2] =	sst s5  }
0xe: {  	[smem:$0x3FB3] =	sst s6  }
0xf: {  	[smem:$0x3FB4] =	sst s7  }
0x10: {  	[smem:$0x3FB5] =	sst s8  }
0x11: {  	[smem:$0x3FB6] =	sst s9;
	s0 =	simm.s32 @!p0 $0x0  }
0x12: {  	s1 =	sld [smem:$0x3F9C];
	s0 =	simm.s32 @p0 $0x1  }
0x13: {  	[smem:$0x3FB7] =	sst s0;
	s0 =	simm.s32 @!p1 $0x0  }
0x14: {  	s2 =	sld [smem:$0x3F9B];
	s0 =	simm.s32 @p1 $0x1  }
0x15: {  	[smem:$0x3FB8] =	sst s0;
	s0 =	simm.s32 @!p2 $0x0  }
0x16: {  	s3 =	sld [smem:$0x3FDB];
	s0 =	simm.s32 @p2 $0x1  }
0x17: {  	s4 =	simm.s32 $0x1BF5;
	[smem:$0x3FBA] =	sst s0  }
0x18: {  	s0 =	sld [smem:$0x3F9D];
	_ =	swait.ge [sflag:s4], $0x0  }
0x19: {  	s7 =	sld [smem:$0x3F9E]  }
0x1a: {  	s8 =	sadd.s32 $0xFFFFE003, lr  }
0x1b: {  	s9 =	sadd.s32 $0xFFFFFEF7, lr;
	s5 =	simm.s32 $0xFFFFFFFF;
	p2 =	slt.u32 s8, $0xFFFFF086  }
0x1c: {  	p1 =	slt.u32 s9, $0xF7A;
	s5 =	simm.s32 @!p2 $0x0  }
0x1d: {  	s5 =	simm.s32 @p1 $0x1;
	p0 =	seq.s32 s7, s2  }
0x1e: {  	s7 =	smul.u32 @!p0 $0xF7A, s2;
	p2 =	seq.s32 @!p0 s5, $0x0  }
0x1f: {  	s9 =	smul.u32 $0xF7A, s1;
	s8 =	simm.s32 @!p0 $0x1BF5;
	p2 =	por !p2, p0  }
0x20: {  	[sflag:s8] =	ssyncset.s32 @!p0 $0xFFFFF086;
	s6 =	sadd.s32 @!p0 s3, s7;
	s7 =	simm.s32 @!p0 $0x108  }
0x21: {  	s3 =	sadd.s32 s3, s9;
	s6 =	sadd.s32 @!p0 $0x88, s6;
	s7 =	simm.s32 @p2 $0x1082  }
0x22: {  	[simem:s7], [sflag:s8] =	dma.local @!p0 [hbm:s6], $0xF7A  }
0x23: {  	s9 =	sor.u32 $0xD0000000, s2;
	s6 =	simm.s32 $0x108;
	_ =	swait.ge @!p0 [sflag:s8], $0x0  }
0x24: {  	s3 =	sadd.s32 $0x88, s3;
	s6 =	simm.s32 @!p1 $0x1082;
	[sflag:s4] =	ssyncset.s32 $0xFFFFF086  }
0x25: {  	[simem:s6], [sflag:s4] =	dma.local [hbm:s3], $0xF7A  }
0x26: {  	[smem:$0x3F9E] =	sst s1;
	(tag) =	ssettag s2;
	_ =	strace s9  }
0x27: {  	s1 =	sld [smem:$0x3FAE]  }
0x28: {  	s2 =	sld [smem:$0x3FAF]  }
0x29: {  	s4 =	sld [smem:$0x3FB1]  }
0x2a: {  	p0 =	seq.s32 s5, $0x0;
	s5 =	sld [smem:$0x3FB2]  }
0x2b: {  	s6 =	sld [smem:$0x3FB3]  }
0x2c: {  	s7 =	sld [smem:$0x3FB4]  }
0x2d: {  	s3 =	simm.s32 $0x108;
	s8 =	sld [smem:$0x3FB5]  }
0x2e: {  	s3 =	simm.s32 @!p0 $0x1082;
	s9 =	sld [smem:$0x3FB6]  }
0x2f: {  	lr =	sadd.s32 s0, s3;
	s0 =	sld [smem:$0x3FAD]  }
0x30: {  	s3 =	sld [smem:$0x3FB0]  }
0x31: {  	[smem:$0x3FB9] =	sst s10  }
0x32: {  	s10 =	sld [smem:$0x3FB7];
	_ =	sdelay $0x3  }
0x33: {  	p0 =	seq.s32 s10, $0x1;
	s10 =	sld [smem:$0x3FB9];
	_ =	sdelay $0x3  }
0x34: {  	[smem:$0x3FB9] =	sst s10  }
0x35: {  	s10 =	sld [smem:$0x3FB8];
	_ =	sdelay $0x3  }
0x36: {  	p1 =	seq.s32 s10, $0x1;
	s10 =	sld [smem:$0x3FB9];
	_ =	sdelay $0x3  }
0x37: {  	[smem:$0x3FB9] =	sst s10  }
0x38: {  	s10 =	sld [smem:$0x3FBA]  }
0x39: {  	_ = 	snop;
	(pc) =	sbr.ind lr, $3  }
0x3a: {  	_ = 	snop  }
0x3b: {  	_ = 	snop  }
0x3c: {  	p2 =	seq.s32 s10, $0x1;
	s10 =	sld [smem:$0x3FB9]  }
0x3d: {  	_ =	shalt  }
0x3e: {  	_ =	shalt  }
0x3f: {  	_ =	shalt  }
0x40: {  	_ =	shalt  }
0x41: {  	_ =	shalt  }
0x42: {  	_ =	shalt  }
0x43: {  	_ =	shalt  }
0x44: {  	_ =	shalt  }
0x45: {  	_ =	shalt  }
0x46: {  	_ =	shalt  }
0x47: {  	_ =	shalt  }
0x48: {  	_ =	shalt  }
0x49: {  	_ =	shalt  }
0x4a: {  	_ =	shalt  }
0x4b: {  	_ =	shalt  }
0x4c: {  	_ =	shalt  }
0x4d: {  	_ =	shalt  }
0x4e: {  	_ =	shalt  }
0x4f: {  	_ =	shalt  }
0x50: {  	_ =	shalt  }
0x51: {  	_ =	shalt  }
0x52: {  	_ =	shalt  }
0x53: {  	_ =	shalt  }
0x54: {  	_ =	shalt  }
0x55: {  	_ =	shalt  }
0x56: {  	_ =	shalt  }
0x57: {  	_ =	shalt  }
0x58: {  	_ =	shalt  }
0x59: {  	_ =	shalt  }
0x5a: {  	_ =	shalt  }
0x5b: {  	_ =	shalt  }
0x5c: {  	_ =	shalt  }
0x5d: {  	_ =	shalt  }
0x5e: {  	_ =	shalt  }
0x5f: {  	_ =	shalt  }
0x60: {  	_ =	shalt  }
0x61: {  	_ =	shalt  }
0x62: {  	_ =	shalt  }
0x63: {  	_ =	shalt  }
0x64: {  	_ =	shalt  }
0x65: {  	_ =	shalt  }
0x66: {  	_ =	shalt  }
0x67: {  	_ =	shalt  }
0x68: {  	_ =	shalt  }
0x69: {  	_ =	shalt  }
0x6a: {  	_ =	shalt  }
0x6b: {  	_ =	shalt  }
0x6c: {  	_ =	shalt  }
0x6d: {  	_ =	shalt  }
0x6e: {  	_ =	shalt  }
0x6f: {  	_ =	shalt  }
0x70: {  	_ =	shalt  }
0x71: {  	_ =	shalt  }
0x72: {  	_ =	shalt  }
0x73: {  	_ =	shalt  }
0x74: {  	_ =	shalt  }
0x75: {  	_ =	shalt  }
0x76: {  	_ =	shalt  }
0x77: {  	_ =	shalt  }
0x78: {  	_ =	shalt  }
0x79: {  	_ =	shalt  }
0x7a: {  	_ =	shalt  }
0x7b: {  	_ =	shalt  }
0x7c: {  	_ =	shalt  }
0x7d: {  	_ =	shalt  }
0x7e: {  	_ =	shalt  }
0x7f: {  	_ =	shalt  }
0x80: {  	_ =	shalt  }
0x81: {  	_ =	shalt  }
0x82: {  	_ =	shalt  }
0x83: {  	_ =	shalt  }
0x84: {  	_ =	shalt  }
0x85: {  	_ =	shalt  }
0x86: {  	_ =	shalt  }
0x87: {  	_ =	shalt  }
.Lfunc_end0:
.L_simem_size_0:
called_computation.1_lowered:
.L_overlay_start_0:
0x88: {  	s2 =	sld [smem:$0x3FD9]  }
0x89: {  	s3 =	sld [smem:$0x3FFE];
	_ =	sdelay $0x1  }
0x8a: {  	s1 =	srdreg.scid  }
0x8b: {  	s0 =	sand.u32 $0x1, s1  }
0x8c: {  	s17 =	sshll.u32 s0, $0xA;
	s2 =	sadd.s32 s3, s2  }
0x8d: {  	s2 =	sadd.s32 s2, s17  }
0x8e: {  	[smem:$0x3FC5] =	sst s2  }
0x8f: {  	_ = 	snop  }
0x90: {  	s2 =	sld [smem:$0x3FD0];
	(tm) =	ssettm $0x1  }
0x91: {  	s18 =	sld [smem:$0x3FFB];
	_ =	sdelay $0x3  }
0x92: {  	_ =	strace s18  }
0x93: {  	s3 =	sld [smem:$0x3FFC];
	_ =	sdelay $0x3  }
0x94: {  	_ =	strace s3  }
0x95: {  	s3 =	sld [smem:$0x3FFD];
	_ =	sdelay $0x3  }
0x96: {  	_ =	strace s3  }
0x97: {  	_ =	strace $0x8FFFFFFF  }
0x98: {  	s19 =	sld [smem:$0x3FDB];
	_ =	sdelay $0x1  }
0x99: {  	s4 =	simm.s32 $_scs_section_size  }
0x9a: {  	s5 =	simm.s32 $_size__tile_overlayer_lowered;
	s6 =	simm.s32 $_tile_overlayer_lowered  }
0x9b: {  	s22 =	simm.s32 $0x1BFF;
	s21 =	sshll.u32 s6, $0x1;
	s3 =	sadd.s32 s4, s19  }
0x9c: {  	s7 =	simm.s32 $0x0;
	s20 =	sshll.u32 s5, $0x1;
	s5 =	sadd.s32 s21, s3  }
0x9d: {  	[timem:s7], [sflag:s22] =	dma.local [hbm:s5], s20  }
0x9e: {  	_ =	swait.ge [sflag:s22], s20  }
0x9f: {  	s4 =	ssub.s32 $0x0, s20;
	[sflag:s22] =	ssyncset.done $0x0  }
0xa0: {  	[sflag:s22] =	ssyncadd.s32 s4;
	_ =	sdelay $0x1  }
0xa1: {  	s23 =	simm.s32 $0x1B8B  }
0xa2: {  	_ =	swait.ge [sflag:s23], $0x1  }
0xa3: {  	[sflag:s23] =	ssyncset.done $0x0  }
0xa4: {  	s25 =	simm.s32 $0x1B8E;
	s24 =	sld [smem:$0x3FFE];
	[sflag:s23] =	ssyncadd.s32 $0xFFFFFFFF  }
0xa5: {  	s26 =	simm.s32 $execute0_lowered;
	[smem:$0x3FD2] =	sst s25  }
0xa6: {  	s5 =	sshll.u32 s26, $0x1;
	_ =	strace $0x80000046;
	[dreg:$0x1] =	wrdreg $0xFFFFFFFF  }
0xa7: {  	s28 =	simm.s32 $_size_execute0_lowered;
	s3 =	sadd.s32 s3, s5;
	[dreg:$0x0] =	wrdreg $0x0  }
0xa8: {  	s5 =	sshll.u32 s28, $0x1;
	[dreg:$0x2] =	wrdreg s3  }
0xa9: {  	[dreg:$0x3] =	wrdreg s5  }
0xaa: {  	[dreg:$0x4] =	wrdreg $0xC0  }
0xab: {  	_ =	task [dreg:s7], $0x5FFFF  }
0xac: {  	[dreg:$0x1] =	wrdreg $0xFFFFFFFF  }
0xad: {  	[dreg:$0x0] =	wrdreg $0x60  }
0xae: {  	[dreg:$0x2] =	wrdreg s24  }
0xaf: {  	[dreg:$0x3] =	wrdreg s2  }
0xb0: {  	[dreg:$0x4] =	wrdreg $0x9  }
0xb1: {  	_ =	task.clear_ibuf [dreg:s7], $0x5FFFF;
	_ =	strace $0x90000046  }
0xb2: {  	s29 =	simm.s32 $0x9;
	_ =	strace $0x80000048  }
0xb3: {  	_ =	swait.ge [sflag:s29], $0x1  }
0xb4: {  	[sflag:s29] =	ssyncadd.s32 $0xFFFFFFFF  }
0xb5: {  	_ =	strace $0x90000048  }
0xb6: {  	_ =	sfence  }
0xb7: {  	s30 =	sld [smem:$0x0];
	_ =	sdelay $0x2  }
0xb8: {  	s31 =	sshll.u32 s1, $0xD;
	s1 =	sshrl.u32 s1, $0x2  }
0xb9: {  	s3 =	sand.u32 $0x4000, s31;
	s1 =	sadd.s32 s1, s30  }
0xba: {  	s0 =	sor.u32 s3, s0;
	s1 =	sshll.u32 s1, $0x11  }
0xbb: {  	s0 =	sor.u32 s1, s0  }
0xbc: {  	s0 =	sadd.s32 $0x8F2B, s0  }
0xbd: {  	[sflag:s0] =	ssyncadd.remote.s32 $0x1  }
0xbe: {  	_ =	sfence.sel $0xFFFF  }
0xbf: {  	[dreg:$0x0] =	wrdreg $0xFFFFFFFF;
	(pc) =	sbr.abs _section_cstart, $3  }
0xc0: {  	[dreg:$0x1] =	wrdreg $0xFFFFFFFF  }
0xc1: {  	_ =	task.clear_ibuf [dreg:s7], $0x2FFFF;
	_ =	strace $0x9FFFFFFF  }
0xc2: {  	(tm) =	ssettm $0x7FFFFFFF  }
0xc3: {  	_ =	shalt  }
tec
execute0_lowered:
.L_overlay_start_1:
0x0: {  	(tag) =	ssettag $0x1  }
0x1: {  	s7 =	rddreg [dreg:$0x0]  }
0x2: {  	s2 =	rddreg [dreg:$0x1];
	s3 =	srdreg.scid  }
0x3: {  	s0 =	rddreg [dreg:$0x2];
	s1 =	stileid.u32  }
0x4: {  	s11 =	simm.s32 $0x5;
	s12 =	simm.s32 $0x1F4;
	s13 =	simm.s32 $0x3F0  }
0x5: {  	s14 =	simm.s32 $0x1;
	s15 =	simm.s32 $0x1F8;
	s16 =	simm.s32 $0x80F0  }
0x6: {  	s17 =	simm.s32 $0x2;
	s18 =	simm.s32 $0x3;
	s19 =	simm.s32 $0x4  }
0x7: {  	s20 =	simm.s32 $0x0;
	s5 =	sand.u32 $0x1, s3;
	s3 =	simm.s32 $0x0  }
0x8: {  	s4 =	sshll.u32 s1, $0x8;
	s6 =	sshll.u32 s5, $0x7;
	[smem:$0x7FF] =	sst s3  }
0x9: {  	s8 =	ssub.s32 $0x2, s5;
	s5 =	sadd.s32 $0x1800, s7;
	s4 =	sor.u32 s6, s4  }
0xa: {  	_ =	strace $0x80000047;
	s10 =	sshrl.u32 s8, $0x1;
	s9 =	smul.u32 $0x3F, s4  }
0xb: {  	s6 =	sadd.s32 $0x40800, s7;
	s7 =	sadd.s32 $0x800, s7;
	s10 =	ssub.s32 s8, s10  }
0xc: {  	s8 =	sadd.s32 s5, s9;
	s9 =	smax.u32 s10, $0x1;
	s10 =	simm.s32 $0xFDF0  }
.LBB2_1:
0xd: {  	[tilespmem:s10], [sflag:$0x5] =	stream.linear.gather [hbm4b:s7+s3], $0x7D00, $0x38;
	[tilespmem:$0x17AF0] =	vst v63  }
0xe: {  	_ =	swait.ge [sflag:s11], $0x7D00  }
0xf: {  	[sflag:s11] =	ssyncset.done $0x0  }
0x10: {  	[sflag:s11] =	ssyncadd.s32 $0xFFFF8300  }
0x11: {  	[tilespmem:s3], [sflag:$0x5] =	stream.linear.gather [hbm4b:s8+s3], $0x1F8, $0x38;
	[tilespmem:$0x17AF0] =	vst v63  }
0x12: {  	_ =	swait.ge [sflag:s11], $0x1F8  }
0x13: {  	[sflag:s11] =	ssyncset.done $0x0  }
0x14: {  	s21 =	simm.s32 $0x0;
	[sflag:s11] =	ssyncadd.s32 $0xFFFFFE08  }
0x15: {  	[tilespmem:s13], [sflag:$0x1] =	stream.indirect.gather [hbm4b:s6+s12], $0x40, s3, s12, $0xb8;
	[tilespmem:$0x17AF0] =	vst v63  }
.LBB2_2:
0x16: {  	s22 =	sshll.u32 s21, $0x1  }
0x17: {  	_ =	swait.ge [sflag:s14], $0x7D00;
	s23 =	sor.u32 s4, s22  }
0x18: {  	p0 =	seq.s32 s21, $0x0;
	[sflag:s14] =	ssyncset.done $0x0;
	s24 =	smul.u32 $0x1F8, s23  }
0x19: {  	s25 =	simm.s32 @!p0 $0x4;
	[sflag:s14] =	ssyncadd.s32 $0xFFFF8300  }
0x1a: {  	_ =	swait.ge @!p0 [sflag:s25], $0x7D00;
	s24 =	sadd.s32 $0x1F8, s24  }
0x1b: {  	[sflag:s25] =	ssyncset.done @!p0 $0x0;
	s24 =	sshrl.u32 s24, $0x3  }
0x1c: {  	[sflag:s25] =	ssyncadd.s32 @!p0 $0xFFFF8300;
	s24 =	sadd.s32 s5, s24  }
0x1d: {  	[tilespmem:s15], [sflag:$0x5] =	stream.linear.gather [hbm4b:s24+s3], $0x1F8, $0x38;
	[tilespmem:$0x17AF0] =	vst v63  }
0x1e: {  	_ =	swait.ge [sflag:s11], $0x1F8  }
0x1f: {  	[sflag:s11] =	ssyncset.done $0x0  }
0x20: {  	s24 =	simm.s32 $0x470;
	[sflag:s11] =	ssyncadd.s32 $0xFFFFFE08  }
0x21: {  	[tilespmem:s16], [sflag:$0x2] =	stream.indirect.gather [hbm4b:s6+s12], $0x40, s15, s12, $0xb8;
	[tilespmem:$0x17AF0] =	vst v63  }
0x22: {  	s25 =	simm.s32 $0xFE70;
	v0 =	vld [tilespmem:s24+$0xFFFFFF80]  }
0x23: {  	v1 =	vld [tilespmem:s25+$0xFFFFFF80];
	_ =	sdelay $0x4  }
0x24: {  	v0 =	vadd.f32 v1, v0;
	_ =	sdelay $0x1  }
0x25: {  	[tilespmem:s24+$0xFFFFFF80] =	vst v0;
	v0 =	vld [tilespmem:s24+$0xFFFFFF90]  }
0x26: {  	v1 =	vld [tilespmem:s25+$0xFFFFFF90];
	_ =	sdelay $0x4  }
0x27: {  	v0 =	vadd.f32 v1, v0;
	_ =	sdelay $0x1  }
0x28: {  	[tilespmem:s24+$0xFFFFFF90] =	vst v0;
	v0 =	vld [tilespmem:s24+$0xFFFFFFA0]  }
0x29: {  	v1 =	vld [tilespmem:s25+$0xFFFFFFA0];
	_ =	sdelay $0x4  }
0x2a: {  	v0 =	vadd.f32 v1, v0;
	_ =	sdelay $0x1  }
0x2b: {  	[tilespmem:s24+$0xFFFFFFA0] =	vst v0;
	v0 =	vld [tilespmem:s24+$0xFFFFFFB0]  }
0x2c: {  	v1 =	vld [tilespmem:s25+$0xFFFFFFB0];
	_ =	sdelay $0x4  }
0x2d: {  	v0 =	vadd.f32 v1, v0;
	_ =	sdelay $0x1  }
0x2e: {  	[tilespmem:s24+$0xFFFFFFB0] =	vst v0;
	v0 =	vld [tilespmem:s24+$0xFFFFFFC0]  }
0x2f: {  	v1 =	vld [tilespmem:s25+$0xFFFFFFC0];
	_ =	sdelay $0x4  }
0x30: {  	v0 =	vadd.f32 v1, v0;
	_ =	sdelay $0x1  }
0x31: {  	[tilespmem:s24+$0xFFFFFFC0] =	vst v0;
	v0 =	vld [tilespmem:s24+$0xFFFFFFD0]  }
0x32: {  	v1 =	vld [tilespmem:s25+$0xFFFFFFD0];
	_ =	sdelay $0x4  }
0x33: {  	v0 =	vadd.f32 v1, v0;
	_ =	sdelay $0x1  }
0x34: {  	[tilespmem:s24+$0xFFFFFFD0] =	vst v0;
	v0 =	vld [tilespmem:s24+$0xFFFFFFE0]  }
0x35: {  	v1 =	vld [tilespmem:s25+$0xFFFFFFE0];
	_ =	sdelay $0x4  }
0x36: {  	v0 =	vadd.f32 v1, v0;
	_ =	sdelay $0x1  }
0x37: {  	[tilespmem:s24+$0xFFFFFFE0] =	vst v0;
	v0 =	vld [tilespmem:s24+$0xFFFFFFF0]  }
0x38: {  	v1 =	vld [tilespmem:s25+$0xFFFFFFF0];
	_ =	sdelay $0x4  }
0x39: {  	v0 =	vadd.f32 v1, v0;
	_ =	sdelay $0x1  }
0x3a: {  	[tilespmem:s24+$0xFFFFFFF0] =	vst v0;
	v0 =	vld [tilespmem:s24+$0x0]  }
0x3b: {  	v1 =	vld [tilespmem:s25+$0x0];
	_ =	sdelay $0x4  }
0x3c: {  	v0 =	vadd.f32 v1, v0;
	_ =	sdelay $0x1  }
0x3d: {  	[tilespmem:s24+$0x0] =	vst v0;
	v0 =	vld [tilespmem:s24+$0x10]  }
0x3e: {  	v1 =	vld [tilespmem:s25+$0x10];
	_ =	sdelay $0x4  }
0x3f: {  	v0 =	vadd.f32 v1, v0;
	_ =	sdelay $0x1  }
0x40: {  	[tilespmem:s24+$0x10] =	vst v0;
	v0 =	vld [tilespmem:s24+$0x20]  }
0x41: {  	v1 =	vld [tilespmem:s25+$0x20];
	_ =	sdelay $0x4  }
0x42: {  	v0 =	vadd.f32 v1, v0;
	_ =	sdelay $0x1  }
0x43: {  	[tilespmem:s24+$0x20] =	vst v0;
	v0 =	vld [tilespmem:s24+$0x30]  }
0x44: {  	v1 =	vld [tilespmem:s25+$0x30];
	_ =	sdelay $0x4  }
0x45: {  	v0 =	vadd.f32 v1, v0;
	_ =	sdelay $0x1  }
0x46: {  	[tilespmem:s24+$0x30] =	vst v0;
	v0 =	vld [tilespmem:s24+$0x40]  }
0x47: {  	v1 =	vld [tilespmem:s25+$0x40];
	_ =	sdelay $0x4  }
0x48: {  	v0 =	vadd.f32 v1, v0;
	_ =	sdelay $0x1  }
0x49: {  	[tilespmem:s24+$0x40] =	vst v0;
	v0 =	vld [tilespmem:s24+$0x50]  }
0x4a: {  	v1 =	vld [tilespmem:s25+$0x50];
	_ =	sdelay $0x4  }
0x4b: {  	v0 =	vadd.f32 v1, v0;
	_ =	sdelay $0x1  }
0x4c: {  	[tilespmem:s24+$0x50] =	vst v0;
	v0 =	vld [tilespmem:s24+$0x60]  }
0x4d: {  	v1 =	vld [tilespmem:s25+$0x60];
	_ =	sdelay $0x4  }
0x4e: {  	v0 =	vadd.f32 v1, v0;
	_ =	sdelay $0x1  }
0x4f: {  	[tilespmem:s24+$0x60] =	vst v0;
	v0 =	vld [tilespmem:s24+$0x70]  }
0x50: {  	v1 =	vld [tilespmem:s25+$0x70];
	_ =	sdelay $0x4  }
0x51: {  	v0 =	vadd.f32 v1, v0  }
0x52: {  	s26 =	simm.s32 $0x0;
	s28 =	simm.s32 $0x570  }
.LBB2_3:
0x53: {  	v1 =	vld [tilespmem:s28+$0xFFFFFF80];
	[tilespmem:s24+$0x70] =	vst v0;
	s25 =	sadd.s32 $0x100, s25;
	s24 =	smov.u32 s28  }
0x54: {  	s26 =	sadd.s32 $0x4, s26;
	v0 =	vld [tilespmem:s25+$0xFFFFFF80]  }
0x55: {  	p0 =	slt.u32 s26, $0x1F0;
	_ =	sdelay $0x3  }
0x56: {  	v0 =	vadd.f32 v0, v1;
	_ =	sdelay $0x1  }
0x57: {  	[tilespmem:s28+$0xFFFFFF80] =	vst v0;
	v0 =	vld [tilespmem:s28+$0xFFFFFF90]  }
0x58: {  	v1 =	vld [tilespmem:s25+$0xFFFFFF90];
	_ =	sdelay $0x4  }
0x59: {  	v0 =	vadd.f32 v1, v0;
	_ =	sdelay $0x1  }
0x5a: {  	[tilespmem:s28+$0xFFFFFF90] =	vst v0;
	v0 =	vld [tilespmem:s28+$0xFFFFFFA0]  }
0x5b: {  	v1 =	vld [tilespmem:s25+$0xFFFFFFA0];
	_ =	sdelay $0x4  }
0x5c: {  	v0 =	vadd.f32 v1, v0;
	_ =	sdelay $0x1  }
0x5d: {  	[tilespmem:s28+$0xFFFFFFA0] =	vst v0;
	v0 =	vld [tilespmem:s28+$0xFFFFFFB0]  }
0x5e: {  	v1 =	vld [tilespmem:s25+$0xFFFFFFB0];
	_ =	sdelay $0x4  }
0x5f: {  	v0 =	vadd.f32 v1, v0;
	_ =	sdelay $0x1  }
0x60: {  	[tilespmem:s28+$0xFFFFFFB0] =	vst v0;
	v0 =	vld [tilespmem:s28+$0xFFFFFFC0]  }
0x61: {  	v1 =	vld [tilespmem:s25+$0xFFFFFFC0];
	_ =	sdelay $0x4  }
0x62: {  	v0 =	vadd.f32 v1, v0;
	_ =	sdelay $0x1  }
0x63: {  	[tilespmem:s28+$0xFFFFFFC0] =	vst v0;
	v0 =	vld [tilespmem:s28+$0xFFFFFFD0]  }
0x64: {  	v1 =	vld [tilespmem:s25+$0xFFFFFFD0];
	_ =	sdelay $0x4  }
0x65: {  	v0 =	vadd.f32 v1, v0;
	_ =	sdelay $0x1  }
0x66: {  	[tilespmem:s28+$0xFFFFFFD0] =	vst v0;
	v0 =	vld [tilespmem:s28+$0xFFFFFFE0]  }
0x67: {  	v1 =	vld [tilespmem:s25+$0xFFFFFFE0];
	_ =	sdelay $0x4  }
0x68: {  	v0 =	vadd.f32 v1, v0;
	_ =	sdelay $0x1  }
0x69: {  	[tilespmem:s28+$0xFFFFFFE0] =	vst v0;
	v0 =	vld [tilespmem:s28+$0xFFFFFFF0]  }
0x6a: {  	v1 =	vld [tilespmem:s25+$0xFFFFFFF0];
	_ =	sdelay $0x4  }
0x6b: {  	v0 =	vadd.f32 v1, v0;
	_ =	sdelay $0x1  }
0x6c: {  	[tilespmem:s28+$0xFFFFFFF0] =	vst v0;
	v0 =	vld [tilespmem:s28+$0x0]  }
0x6d: {  	v1 =	vld [tilespmem:s25+$0x0];
	_ =	sdelay $0x4  }
0x6e: {  	v0 =	vadd.f32 v1, v0;
	_ =	sdelay $0x1  }
0x6f: {  	[tilespmem:s28+$0x0] =	vst v0;
	v0 =	vld [tilespmem:s28+$0x10]  }
0x70: {  	v1 =	vld [tilespmem:s25+$0x10];
	_ =	sdelay $0x4  }
0x71: {  	v0 =	vadd.f32 v1, v0;
	_ =	sdelay $0x1  }
0x72: {  	[tilespmem:s28+$0x10] =	vst v0;
	v0 =	vld [tilespmem:s28+$0x20]  }
0x73: {  	v1 =	vld [tilespmem:s25+$0x20];
	_ =	sdelay $0x4  }
0x74: {  	v0 =	vadd.f32 v1, v0;
	_ =	sdelay $0x1  }
0x75: {  	[tilespmem:s28+$0x20] =	vst v0;
	v0 =	vld [tilespmem:s28+$0x30]  }
0x76: {  	v1 =	vld [tilespmem:s25+$0x30];
	_ =	sdelay $0x4  }
0x77: {  	v0 =	vadd.f32 v1, v0;
	_ =	sdelay $0x1  }
0x78: {  	[tilespmem:s28+$0x30] =	vst v0;
	v0 =	vld [tilespmem:s28+$0x40]  }
0x79: {  	v1 =	vld [tilespmem:s25+$0x40];
	_ =	sdelay $0x4  }
0x7a: {  	v0 =	vadd.f32 v1, v0;
	_ =	sdelay $0x1  }
0x7b: {  	[tilespmem:s28+$0x40] =	vst v0;
	v0 =	vld [tilespmem:s28+$0x50]  }
0x7c: {  	v1 =	vld [tilespmem:s25+$0x50];
	_ =	sdelay $0x4  }
0x7d: {  	v0 =	vadd.f32 v1, v0;
	_ =	sdelay $0x1  }
0x7e: {  	[tilespmem:s28+$0x50] =	vst v0;
	v0 =	vld [tilespmem:s28+$0x60]  }
0x7f: {  	v1 =	vld [tilespmem:s25+$0x60];
	_ =	sdelay $0x4  }
0x80: {  	v0 =	vadd.f32 v1, v0;
	_ =	sdelay $0x1  }
0x81: {  	[tilespmem:s28+$0x60] =	vst v0;
	v0 =	vld [tilespmem:s28+$0x70]  }
0x82: {  	v1 =	vld [tilespmem:s25+$0x70];
	_ =	sdelay $0x1  }
.Ltmp0:
0x83: {  	(pc) =	sbr.rel @p0 .LBB2_3-.Ltmp0, $3  }
0x84: {  	_ =	sdelay $0x1  }
0x85: {  	v0 =	vadd.f32 v1, v0  }
0x86: {  	s28 =	sadd.s32 $0x100, s28  }
0x87: {  	s23 =	smul.u32 $0xFA0, s23  }
0x88: {  	s22 =	sor.u32 $0x1, s22  }
0x89: {  	[tilespmem:s24+$0x70] =	vst v0;
	p0 =	sgt.u32 s22, $0x7E;
	s23 =	sadd.s32 s2, s23  }
0x8a: {  	[hbm4b:s23+s3] =	stream.linear.scatter [tilespmem:s13], [sflag:$0x3], $0x7D00, $0x38;
	[tilespmem:$0x17AF0] =	vst v63  }
0x8b: {  	s23 =	sor.u32 @!p0 s4, s22;
	_ =	swait.ge [sflag:s17], $0x7D00  }
0x8c: {  	s23 =	smul.u32 @!p0 $0x1F8, s23;
	[sflag:s17] =	ssyncset.done $0x0  }
0x8d: {  	s24 =	simm.s32 @!p0 $0x3;
	[sflag:s17] =	ssyncadd.s32 $0xFFFF8300  }
0x8e: {  	s23 =	sadd.s32 @!p0 $0x1F8, s23;
	_ =	swait.ge @!p0 [sflag:s24], $0x7D00  }
0x8f: {  	s23 =	sshrl.u32 @!p0 s23, $0x3;
	[sflag:s24] =	ssyncset.done @!p0 $0x0  }
0x90: {  	s23 =	sadd.s32 @!p0 s5, s23;
	[sflag:s24] =	ssyncadd.s32 @!p0 $0xFFFF8300;
	s24 =	simm.s32 @!p0 $0x0  }
0x91: {  	[tilespmem:s24], [sflag:$0x5] =	stream.linear.gather @!p0 [hbm4b:s23+s24], $0x1F8, $0x38;
	[tilespmem:$0x17AF0] =	vst v63  }
0x92: {  	s23 =	simm.s32 @!p0 $0x5  }
0x93: {  	_ =	swait.ge @!p0 [sflag:s23], $0x1F8  }
0x94: {  	[sflag:s23] =	ssyncset.done @!p0 $0x0  }
0x95: {  	s25 =	simm.s32 @!p0 $0x3F0;
	[sflag:s23] =	ssyncadd.s32 @!p0 $0xFFFFFE08;
	s23 =	simm.s32 @!p0 $0x1F4  }
0x96: {  	[tilespmem:s25], [sflag:$0x1] =	stream.indirect.gather @!p0 [hbm4b:s6+s23], $0x40, s24, s23, $0xb8;
	[tilespmem:$0x17AF0] =	vst v63  }
0x97: {  	s23 =	simm.s32 $0x8170  }
0x98: {  	s24 =	simm.s32 $0xFE70;
	v0 =	vld [tilespmem:s23+$0xFFFFFF80]  }
0x99: {  	v1 =	vld [tilespmem:s24+$0xFFFFFF80];
	_ =	sdelay $0x4  }
0x9a: {  	v0 =	vadd.f32 v1, v0;
	_ =	sdelay $0x1  }
0x9b: {  	[tilespmem:s23+$0xFFFFFF80] =	vst v0;
	v0 =	vld [tilespmem:s23+$0xFFFFFF90]  }
0x9c: {  	v1 =	vld [tilespmem:s24+$0xFFFFFF90];
	_ =	sdelay $0x4  }
0x9d: {  	v0 =	vadd.f32 v1, v0;
	_ =	sdelay $0x1  }
0x9e: {  	[tilespmem:s23+$0xFFFFFF90] =	vst v0;
	v0 =	vld [tilespmem:s23+$0xFFFFFFA0]  }
0x9f: {  	v1 =	vld [tilespmem:s24+$0xFFFFFFA0];
	_ =	sdelay $0x4  }
0xa0: {  	v0 =	vadd.f32 v1, v0;
	_ =	sdelay $0x1  }
0xa1: {  	[tilespmem:s23+$0xFFFFFFA0] =	vst v0;
	v0 =	vld [tilespmem:s23+$0xFFFFFFB0]  }
0xa2: {  	v1 =	vld [tilespmem:s24+$0xFFFFFFB0];
	_ =	sdelay $0x4  }
0xa3: {  	v0 =	vadd.f32 v1, v0;
	_ =	sdelay $0x1  }
0xa4: {  	[tilespmem:s23+$0xFFFFFFB0] =	vst v0;
	v0 =	vld [tilespmem:s23+$0xFFFFFFC0]  }
0xa5: {  	v1 =	vld [tilespmem:s24+$0xFFFFFFC0];
	_ =	sdelay $0x4  }
0xa6: {  	v0 =	vadd.f32 v1, v0;
	_ =	sdelay $0x1  }
0xa7: {  	[tilespmem:s23+$0xFFFFFFC0] =	vst v0;
	v0 =	vld [tilespmem:s23+$0xFFFFFFD0]  }
0xa8: {  	v1 =	vld [tilespmem:s24+$0xFFFFFFD0];
	_ =	sdelay $0x4  }
0xa9: {  	v0 =	vadd.f32 v1, v0;
	_ =	sdelay $0x1  }
0xaa: {  	[tilespmem:s23+$0xFFFFFFD0] =	vst v0;
	v0 =	vld [tilespmem:s23+$0xFFFFFFE0]  }
0xab: {  	v1 =	vld [tilespmem:s24+$0xFFFFFFE0];
	_ =	sdelay $0x4  }
0xac: {  	v0 =	vadd.f32 v1, v0;
	_ =	sdelay $0x1  }
0xad: {  	[tilespmem:s23+$0xFFFFFFE0] =	vst v0;
	v0 =	vld [tilespmem:s23+$0xFFFFFFF0]  }
0xae: {  	v1 =	vld [tilespmem:s24+$0xFFFFFFF0];
	_ =	sdelay $0x4  }
0xaf: {  	v0 =	vadd.f32 v1, v0;
	_ =	sdelay $0x1  }
0xb0: {  	[tilespmem:s23+$0xFFFFFFF0] =	vst v0;
	v0 =	vld [tilespmem:s23+$0x0]  }
0xb1: {  	v1 =	vld [tilespmem:s24+$0x0];
	_ =	sdelay $0x4  }
0xb2: {  	v0 =	vadd.f32 v1, v0;
	_ =	sdelay $0x1  }
0xb3: {  	[tilespmem:s23+$0x0] =	vst v0;
	v0 =	vld [tilespmem:s23+$0x10]  }
0xb4: {  	v1 =	vld [tilespmem:s24+$0x10];
	_ =	sdelay $0x4  }
0xb5: {  	v0 =	vadd.f32 v1, v0;
	_ =	sdelay $0x1  }
0xb6: {  	[tilespmem:s23+$0x10] =	vst v0;
	v0 =	vld [tilespmem:s23+$0x20]  }
0xb7: {  	v1 =	vld [tilespmem:s24+$0x20];
	_ =	sdelay $0x4  }
0xb8: {  	v0 =	vadd.f32 v1, v0;
	_ =	sdelay $0x1  }
0xb9: {  	[tilespmem:s23+$0x20] =	vst v0;
	v0 =	vld [tilespmem:s23+$0x30]  }
0xba: {  	v1 =	vld [tilespmem:s24+$0x30];
	_ =	sdelay $0x4  }
0xbb: {  	v0 =	vadd.f32 v1, v0;
	_ =	sdelay $0x1  }
0xbc: {  	[tilespmem:s23+$0x30] =	vst v0;
	v0 =	vld [tilespmem:s23+$0x40]  }
0xbd: {  	v1 =	vld [tilespmem:s24+$0x40];
	_ =	sdelay $0x4  }
0xbe: {  	v0 =	vadd.f32 v1, v0;
	_ =	sdelay $0x1  }
0xbf: {  	[tilespmem:s23+$0x40] =	vst v0;
	v0 =	vld [tilespmem:s23+$0x50]  }
0xc0: {  	v1 =	vld [tilespmem:s24+$0x50];
	_ =	sdelay $0x4  }
0xc1: {  	v0 =	vadd.f32 v1, v0;
	_ =	sdelay $0x1  }
0xc2: {  	[tilespmem:s23+$0x50] =	vst v0;
	v0 =	vld [tilespmem:s23+$0x60]  }
0xc3: {  	v1 =	vld [tilespmem:s24+$0x60];
	_ =	sdelay $0x4  }
0xc4: {  	v0 =	vadd.f32 v1, v0;
	_ =	sdelay $0x1  }
0xc5: {  	[tilespmem:s23+$0x60] =	vst v0;
	v0 =	vld [tilespmem:s23+$0x70]  }
0xc6: {  	v1 =	vld [tilespmem:s24+$0x70];
	_ =	sdelay $0x4  }
0xc7: {  	v0 =	vadd.f32 v1, v0  }
0xc8: {  	s26 =	simm.s32 $0x8270;
	s25 =	simm.s32 $0x0  }
.LBB2_5:
0xc9: {  	v1 =	vld [tilespmem:s26+$0xFFFFFF80];
	[tilespmem:s23+$0x70] =	vst v0;
	s24 =	sadd.s32 $0x100, s24;
	s23 =	smov.u32 s26  }
0xca: {  	s25 =	sadd.s32 $0x4, s25;
	v0 =	vld [tilespmem:s24+$0xFFFFFF80]  }
0xcb: {  	p0 =	slt.u32 s25, $0x1F0;
	_ =	sdelay $0x3  }
0xcc: {  	v0 =	vadd.f32 v0, v1;
	_ =	sdelay $0x1  }
0xcd: {  	[tilespmem:s26+$0xFFFFFF80] =	vst v0;
	v0 =	vld [tilespmem:s26+$0xFFFFFF90]  }
0xce: {  	v1 =	vld [tilespmem:s24+$0xFFFFFF90];
	_ =	sdelay $0x4  }
0xcf: {  	v0 =	vadd.f32 v1, v0;
	_ =	sdelay $0x1  }
0xd0: {  	[tilespmem:s26+$0xFFFFFF90] =	vst v0;
	v0 =	vld [tilespmem:s26+$0xFFFFFFA0]  }
0xd1: {  	v1 =	vld [tilespmem:s24+$0xFFFFFFA0];
	_ =	sdelay $0x4  }
0xd2: {  	v0 =	vadd.f32 v1, v0;
	_ =	sdelay $0x1  }
0xd3: {  	[tilespmem:s26+$0xFFFFFFA0] =	vst v0;
	v0 =	vld [tilespmem:s26+$0xFFFFFFB0]  }
0xd4: {  	v1 =	vld [tilespmem:s24+$0xFFFFFFB0];
	_ =	sdelay $0x4  }
0xd5: {  	v0 =	vadd.f32 v1, v0;
	_ =	sdelay $0x1  }
0xd6: {  	[tilespmem:s26+$0xFFFFFFB0] =	vst v0;
	v0 =	vld [tilespmem:s26+$0xFFFFFFC0]  }
0xd7: {  	v1 =	vld [tilespmem:s24+$0xFFFFFFC0];
	_ =	sdelay $0x4  }
0xd8: {  	v0 =	vadd.f32 v1, v0;
	_ =	sdelay $0x1  }
0xd9: {  	[tilespmem:s26+$0xFFFFFFC0] =	vst v0;
	v0 =	vld [tilespmem:s26+$0xFFFFFFD0]  }
0xda: {  	v1 =	vld [tilespmem:s24+$0xFFFFFFD0];
	_ =	sdelay $0x4  }
0xdb: {  	v0 =	vadd.f32 v1, v0;
	_ =	sdelay $0x1  }
0xdc: {  	[tilespmem:s26+$0xFFFFFFD0] =	vst v0;
	v0 =	vld [tilespmem:s26+$0xFFFFFFE0]  }
0xdd: {  	v1 =	vld [tilespmem:s24+$0xFFFFFFE0];
	_ =	sdelay $0x4  }
0xde: {  	v0 =	vadd.f32 v1, v0;
	_ =	sdelay $0x1  }
0xdf: {  	[tilespmem:s26+$0xFFFFFFE0] =	vst v0;
	v0 =	vld [tilespmem:s26+$0xFFFFFFF0]  }
0xe0: {  	v1 =	vld [tilespmem:s24+$0xFFFFFFF0];
	_ =	sdelay $0x4  }
0xe1: {  	v0 =	vadd.f32 v1, v0;
	_ =	sdelay $0x1  }
0xe2: {  	[tilespmem:s26+$0xFFFFFFF0] =	vst v0;
	v0 =	vld [tilespmem:s26+$0x0]  }
0xe3: {  	v1 =	vld [tilespmem:s24+$0x0];
	_ =	sdelay $0x4  }
0xe4: {  	v0 =	vadd.f32 v1, v0;
	_ =	sdelay $0x1  }
0xe5: {  	[tilespmem:s26+$0x0] =	vst v0;
	v0 =	vld [tilespmem:s26+$0x10]  }
0xe6: {  	v1 =	vld [tilespmem:s24+$0x10];
	_ =	sdelay $0x4  }
0xe7: {  	v0 =	vadd.f32 v1, v0;
	_ =	sdelay $0x1  }
0xe8: {  	[tilespmem:s26+$0x10] =	vst v0;
	v0 =	vld [tilespmem:s26+$0x20]  }
0xe9: {  	v1 =	vld [tilespmem:s24+$0x20];
	_ =	sdelay $0x4  }
0xea: {  	v0 =	vadd.f32 v1, v0;
	_ =	sdelay $0x1  }
0xeb: {  	[tilespmem:s26+$0x20] =	vst v0;
	v0 =	vld [tilespmem:s26+$0x30]  }
0xec: {  	v1 =	vld [tilespmem:s24+$0x30];
	_ =	sdelay $0x4  }
0xed: {  	v0 =	vadd.f32 v1, v0;
	_ =	sdelay $0x1  }
0xee: {  	[tilespmem:s26+$0x30] =	vst v0;
	v0 =	vld [tilespmem:s26+$0x40]  }
0xef: {  	v1 =	vld [tilespmem:s24+$0x40];
	_ =	sdelay $0x4  }
0xf0: {  	v0 =	vadd.f32 v1, v0;
	_ =	sdelay $0x1  }
0xf1: {  	[tilespmem:s26+$0x40] =	vst v0;
	v0 =	vld [tilespmem:s26+$0x50]  }
0xf2: {  	v1 =	vld [tilespmem:s24+$0x50];
	_ =	sdelay $0x4  }
0xf3: {  	v0 =	vadd.f32 v1, v0;
	_ =	sdelay $0x1  }
0xf4: {  	[tilespmem:s26+$0x50] =	vst v0;
	v0 =	vld [tilespmem:s26+$0x60]  }
0xf5: {  	v1 =	vld [tilespmem:s24+$0x60];
	_ =	sdelay $0x4  }
0xf6: {  	v0 =	vadd.f32 v1, v0;
	_ =	sdelay $0x1  }
0xf7: {  	[tilespmem:s26+$0x60] =	vst v0;
	v0 =	vld [tilespmem:s26+$0x70]  }
0xf8: {  	v1 =	vld [tilespmem:s24+$0x70];
	_ =	sdelay $0x1  }
.Ltmp1:
0xf9: {  	(pc) =	sbr.rel @p0 .LBB2_5-.Ltmp1, $3  }
0xfa: {  	_ =	sdelay $0x1  }
0xfb: {  	v0 =	vadd.f32 v1, v0  }
0xfc: {  	s26 =	sadd.s32 $0x100, s26  }
0xfd: {  	s21 =	sadd.s32 $0x1, s21  }
0xfe: {  	p0 =	sne.s32 s21, $0x40  }
.Ltmp2:
0xff: {  	s22 =	sadd.s32 s4, s22;
	(pc) =	sbr.rel @p0 .LBB2_2-.Ltmp2, $3  }
0x100: {  	s22 =	smul.u32 $0xFA0, s22;
	_ =	sdelay $0x1  }
0x101: {  	[tilespmem:s23+$0x70] =	vst v0;
	s22 =	sadd.s32 s2, s22  }
0x102: {  	[hbm4b:s22+s3] =	stream.linear.scatter [tilespmem:s16], [sflag:$0x4], $0x7D00, $0x38;
	[tilespmem:$0x17AF0] =	vst v63  }
0x103: {  	s20 =	sadd.s32 $0x1, s20  }
0x104: {  	_ =	swait.ge [sflag:s18], $0x7D00;
	p0 =	sne.s32 s20, s9  }
.Ltmp3:
0x105: {  	[sflag:s18] =	ssyncset.done $0x0;
	(pc) =	sbr.rel @p0 .LBB2_1-.Ltmp3, $4  }
0x106: {  	[sflag:s18] =	ssyncadd.s32 $0xFFFF8300  }
0x107: {  	_ =	swait.ge [sflag:s19], $0x7D00  }
0x108: {  	[sflag:s19] =	ssyncset.done $0x0  }
0x109: {  	[sflag:s19] =	ssyncadd.s32 $0xFFFF8300  }
0x10a: {  	_ =	sfence.sel $0x180000  }
0x10b: {  	[bflag:$0x0] =	sbarrier.arrive $0xFFFF  }
0x10c: {  	p0 =	sne.s32 s1, $0x0;
	_ =	strace $0x90000047  }
0x10d: {  	s0 =	sadd.s32 @!p0 $0x100000, s0;
	[bflag:$0x2] =	sbarrier.arrive $0xFFFF  }
0x10e: {  	[sflag:s0] =	ssyncadd.tile.s32 @!p0 $0x1;
	_ =	shalt  }
.Lfunc_end2:
_tile_overlayer_lowered:
.L_overlay_start_2:
0x10f: {  	(tag) =	ssettag $0x2  }
0x110: {  	s0 =	rddreg [dreg:$0x0];
	s2 =	stileid.u32  }
0x111: {  	s1 =	rddreg [dreg:$0x1];
	p0 =	sne.s32 s2, $0x0  }
0x112: {  	s3 =	rddreg [dreg:$0x2];
	[bflag:$0x3] =	sbarrier.arrive $0xFFFF;
	s2 =	simm.s32 @!p0 $0x1C05  }
0x113: {  	[timem:s3], [sflag:s2] =	dma.local @!p0 [hbm:s0], s1  }
0x114: {  	s0 =	simm.s32 @!p0 $0x5  }
0x115: {  	_ =	swait.ge @!p0 [sflag:s0], s1  }
0x116: {  	s1 =	ssub.s32 @!p0 $0x0, s1;
	[sflag:s0] =	ssyncset.done @!p0 $0x0  }
0x117: {  	[sflag:s0] =	ssyncadd.s32 @!p0 s1  }
0x118: {  	[bflag:$0x3] =	sbarrier.arrive $0xFFFF  }
0x119: {  	_ =	shalt  }

// kernel: sparse-core-data-format-call.cloned.1.call-start
scs
called_computation_lowered:
.L_overlay_start_0:
0x0: {  	s2 =	sld [smem:$0x3FD9]  }
0x1: {  	s3 =	sld [smem:$0x3FFE];
	_ =	sdelay $0x1  }
0x2: {  	s1 =	srdreg.scid  }
0x3: {  	s0 =	sand.u32 $0x1, s1  }
0x4: {  	s18 =	sshll.u32 s0, $0xA;
	s2 =	sadd.s32 s3, s2  }
0x5: {  	s2 =	sadd.s32 s2, s18  }
0x6: {  	[smem:$0x3FC5] =	sst s2  }
0x7: {  	_ = 	snop  }
0x8: {  	s2 =	sld [smem:$0x3FD0];
	(tm) =	ssettm $0x1  }
0x9: {  	s19 =	sld [smem:$0x3FFB];
	_ =	sdelay $0x3  }
0xa: {  	_ =	strace s19  }
0xb: {  	s3 =	sld [smem:$0x3FFC];
	_ =	sdelay $0x3  }
0xc: {  	_ =	strace s3  }
0xd: {  	s3 =	sld [smem:$0x3FFD];
	_ =	sdelay $0x3  }
0xe: {  	_ =	strace s3  }
0xf: {  	_ =	strace $0x8FFFFFFF  }
0x10: {  	s20 =	sld [smem:$0x3FDB];
	_ =	sdelay $0x1  }
0x11: {  	s4 =	simm.s32 $_scs_section_size  }
0x12: {  	s5 =	simm.s32 $_size__tile_overlayer_lowered;
	s6 =	simm.s32 $_tile_overlayer_lowered  }
0x13: {  	s23 =	simm.s32 $0x1BFF;
	s22 =	sshll.u32 s6, $0x1;
	s3 =	sadd.s32 s4, s20  }
0x14: {  	s7 =	simm.s32 $0x0;
	s21 =	sshll.u32 s5, $0x1;
	s5 =	sadd.s32 s22, s3  }
0x15: {  	[timem:s7], [sflag:s23] =	dma.local [hbm:s5], s21  }
0x16: {  	_ =	swait.ge [sflag:s23], s21  }
0x17: {  	s4 =	ssub.s32 $0x0, s21;
	[sflag:s23] =	ssyncset.done $0x0  }
0x18: {  	[sflag:s23] =	ssyncadd.s32 s4;
	_ =	sdelay $0x1  }
0x19: {  	s24 =	simm.s32 $0x1B8B  }
0x1a: {  	_ =	swait.ge [sflag:s24], $0x1  }
0x1b: {  	[sflag:s24] =	ssyncset.done $0x0  }
0x1c: {  	s26 =	simm.s32 $0x1B8E;
	s25 =	sld [smem:$0x3FFE];
	[sflag:s24] =	ssyncadd.s32 $0xFFFFFFFF  }
0x1d: {  	s27 =	simm.s32 $execute0_lowered;
	[smem:$0x3FD2] =	sst s26  }
0x1e: {  	s5 =	sshll.u32 s27, $0x1;
	_ =	strace $0x80000049;
	[dreg:$0x1] =	wrdreg $0xFFFFFFFF  }
0x1f: {  	s28 =	simm.s32 $_size_execute0_lowered;
	s3 =	sadd.s32 s3, s5;
	[dreg:$0x0] =	wrdreg $0x0  }
0x20: {  	s5 =	sshll.u32 s28, $0x1;
	[dreg:$0x2] =	wrdreg s3  }
0x21: {  	[dreg:$0x3] =	wrdreg s5  }
0x22: {  	[dreg:$0x4] =	wrdreg $0xC0  }
0x23: {  	_ =	task [dreg:s7], $0x5FFFF  }
0x24: {  	[dreg:$0x1] =	wrdreg $0xFFFFFFFF  }
0x25: {  	[dreg:$0x0] =	wrdreg $0x60  }
0x26: {  	[dreg:$0x2] =	wrdreg s25  }
0x27: {  	[dreg:$0x3] =	wrdreg s2  }
0x28: {  	[dreg:$0x4] =	wrdreg $0x9  }
0x29: {  	_ =	task.clear_ibuf [dreg:s7], $0x5FFFF;
	_ =	strace $0x90000049  }
0x2a: {  	s29 =	simm.s32 $0x9;
	_ =	strace $0x8000004B  }
0x2b: {  	_ =	swait.ge [sflag:s29], $0x1  }
0x2c: {  	[sflag:s29] =	ssyncadd.s32 $0xFFFFFFFF  }
0x2d: {  	_ =	strace $0x9000004B  }
0x2e: {  	_ =	sfence  }
0x2f: {  	s30 =	sld [smem:$0x0];
	_ =	sdelay $0x2  }
0x30: {  	s31 =	sshll.u32 s1, $0xD;
	s1 =	sshrl.u32 s1, $0x2  }
0x31: {  	s3 =	sand.u32 $0x4000, s31;
	s1 =	sadd.s32 s1, s30  }
0x32: {  	s0 =	sor.u32 s3, s0;
	s1 =	sshll.u32 s1, $0x11  }
0x33: {  	s0 =	sor.u32 s1, s0  }
0x34: {  	s0 =	sadd.s32 $0x8F2B, s0  }
0x35: {  	[sflag:s0] =	ssyncadd.remote.s32 $0x1  }
0x36: {  	_ =	sfence.sel $0xFFFF  }
0x37: {  	[dreg:$0x0] =	wrdreg $0xFFFFFFFF;
	(pc) =	sbr.abs _section_cstart, $3  }
0x38: {  	[dreg:$0x1] =	wrdreg $0xFFFFFFFF  }
0x39: {  	_ =	task.clear_ibuf [dreg:s7], $0x2FFFF;
	_ =	strace $0x9FFFFFFF  }
0x3a: {  	(tm) =	ssettm $0x7FFFFFFF  }
0x3b: {  	_ =	shalt  }
tec
execute0_lowered:
.L_overlay_start_1:
0x0: {  	(tag) =	ssettag $0x1  }
0x1: {  	s0 =	srdreg.scid  }
0x2: {  	s1 =	sshll.u32 s0, $0x4  }
0x3: {  	s0 =	stileid.u32;
	s1 =	sand.u32 $0x10, s1  }
0x4: {  	s1 =	sor.u32 s0, s1  }
0x5: {  	s6 =	rddreg [dreg:$0x0];
	s4 =	simm.s32 $0x1;
	s2 =	sshll.u32 s1, $0x7  }
0x6: {  	s7 =	simm.s32 $0x2;
	s12 =	simm.s32 $0x0;
	s1 =	ssub.s32 $0x1000, s2  }
0x7: {  	s8 =	simm.s32 $0x8000;
	s13 =	simm.s32 $0x0;
	s3 =	sand.u32 $0xF80, s1  }
0x8: {  	s9 =	simm.s32 $0x0;
	s5 =	sshrl.u32 s1, $0xC;
	p0 =	sne.s32 s3, $0x0  }
.Ltmp0:
0x9: {  	s1 =	rddreg [dreg:$0x2];
	s4 =	simm.s32 @!p0 $0x0;
	(pc) =	sbr.rel .LBB1_1-.Ltmp0, $4  }
0xa: {  	s11 =	simm.s32 $0x0;
	s3 =	rddreg [dreg:$0x1];
	s5 =	sadd.s32 s4, s5  }
0xb: {  	_ =	strace $0x8000004A;
	s4 =	simm.s32 $0x1;
	s5 =	smul.u32 $0x1F4, s5  }
0xc: {  	s6 =	sadd.s32 $0x800, s6;
	s10 =	smov.u32 s2;
	[sflag:s4] =	ssyncpa.u1 $0x0  }
0xd: {  	p0 =	por $0x0, $0x0;
	[sflag:s7] =	ssyncpa.u1 $0x0;
	s7 =	sor.u32 $0x1, s5  }
.LBB1_4:
0xe: {  	s16 =	sshll.u32 s13, $0x3;
	s17 =	sand.u32 $0x78, s13  }
0xf: {  	s30 =	sand.u32 $0x7E00, s13;
	s12 =	sshll.u32 s12, $0xF;
	s16 =	sand.u32 $0xC00, s16  }
0x10: {  	[tilespmem:s15+$0x810 ss:$0x81] =	vst.msk $0xffff, v2;
	s31 =	sand.u32 $0x7, s13;
	s16 =	sor.u32 s17, s16;
	s17 =	sadd.s32 s3, s30  }
0x11: {  	[tilespmem:s15+$0x1020 ss:$0x81] =	vst.msk $0xffff, v0;
	s13 =	sshll.u32 s31, $0x12;
	s12 =	sadd.s32 s12, s17;
	s16 =	sshrl.u32 s16, $0x3  }
0x12: {  	[tilespmem:s15+$0x0 ss:$0x81] =	vst.msk $0xffff, v1;
	s13 =	sor.u32 $0x400, s13;
	s12 =	sadd.s32 s16, s12  }
0x13: {  	[hbm4b:s12+s13] =	stream.strided.scatter [tilespmem:s14], [sflag:$0x2], $0x2000, s8, s13, $0x20;
	[tilespmem:$0x8080] =	vst v63  }
.LBB1_5:
0x14: {  	s14 =	sadd.s32 $0x1, s9  }
0x15: {  	s12 =	sadd.s32 $0x1000, s10;
	s16 =	smov.u32 s10;
	p2 =	sgt.s32 s14, $0x1F3  }
0x16: {  	s16 =	smov.u32 @p2 s12  }
0x17: {  	s14 =	simm.s32 @p2 $0x0;
	p2 =	sgt.s32 s16, $0xFFF  }
0x18: {  	s16 =	smov.u32 @p2 s2;
	p2 =	sne.s32 s11, s7  }
.Ltmp1:
0x19: {  	p1 =	slt.u32 s11, $0x2;
	(pc) =	sbr.rel @!p2 .LBB1_6-.Ltmp1, $4  }
0x1a: {  	s15 =	simm.s32 @!p1 $0x2  }
0x1b: {  	s13 =	smov.u32 s10;
	p0 =	por !p0, !p0;
	_ =	swait.ge @!p1 [sflag:s15], $0x2000  }
0x1c: {  	s12 =	smov.u32 s9;
	[sflag:s15] =	ssyncset.done @!p1 $0x0;
	s9 =	smov.u32 s14  }
0x1d: {  	s11 =	sadd.s32 $0x1, s11;
	[sflag:s15] =	ssyncadd.s32 @!p1 $0xFFFFE000;
	s10 =	smov.u32 s16  }
.LBB1_1:
0x1e: {  	p1 =	sge.u32 s11, s5  }
0x1f: {  	s14 =	sand.u32 @!p1 $0x1FFFFFF, s9  }
0x20: {  	s15 =	smulhi.u32 @!p1 $0x2082083, s14;
	_ =	sdelay $0x1  }
0x21: {  	s15 =	sshrl.u32 @!p1 s15, $0x2  }
0x22: {  	s15 =	smul.u32 @!p1 $0x1F8, s15  }
0x23: {  	s16 =	sxor.u32 @!p1 $0xFFFFFFFF, s11;
	s17 =	smul.u32 @!p1 $0x1F80, s10  }
0x24: {  	s31 =	sadd.s32 $0xFFFFFFFF, s11;
	s16 =	sshll.u32 @!p1 s16, $0xD;
	s14 =	ssub.s32 @!p1 s14, s15  }
0x25: {  	s15 =	sand.u32 @!p1 $0x2000, s16;
	s16 =	sadd.s32 @!p1 s6, s17;
	s14 =	sshll.u32 @!p1 s14, $0x4  }
0x26: {  	s17 =	simm.s32 @!p1 $0xFC00;
	s14 =	sadd.s32 @!p1 s14, s16;
	s16 =	simm.s32 @!p1 $0x40  }
0x27: {  	[tilespmem:s15], [sflag:$0x1] =	stream.strided.gather @!p1 [hbm4b:s14+s16], $0x2000, s17, s16, $0x38;
	[tilespmem:$0x8080] =	vst v63  }
0x28: {  	p1 =	sge.u32 s31, s5  }
.Ltmp2:
0x29: {  	_ = 	snop;
	(pc) =	sbr.rel @p1 .LBB1_5-.Ltmp2, $1  }
0x2a: {  	_ =	sdelay $0x3  }
0x2b: {  	s14 =	simm.s32 $0x1  }
0x2c: {  	_ =	swait.ge [sflag:s4], $0x2000;
	s14 =	simm.s32 @!p0 $0x0  }
0x2d: {  	[sflag:s4] =	ssyncset.done $0x0;
	s15 =	sshll.u32 s14, $0xD  }
0x2e: {  	[sflag:s4] =	ssyncadd.s32 $0xFFFFE000;
	s18 =	sor.u32 $0x20, s15  }
0x2f: {  	s14 =	smul.u32 $0x8100, s14;
	v3 =	vld [tilespmem:s18+$0x10]  }
0x30: {  	s30 =	sand.u32 $0x1, s11;
	v2 =	vld [tilespmem:s18+$0xFFFFFFF0]  }
0x31: {  	s15 =	smul.u32 $0x8100, s30;
	s14 =	sshrl.u32 s14, $0x2;
	v0 =	vld [tilespmem:s18+$0x0]  }
0x32: {  	v1 =	vld [tilespmem:s18+$0xFFFFFFE0];
	s16 =	sor.u32 $0x4000, s14  }
0x33: {  	s31 =	sshrl.u32 s15, $0x2;
	s15 =	sadd.s32 $0x0, s16  }
0x34: {  	s17 =	simm.s32 $0x4;
	s18 =	sadd.s32 $0x40, s18;
	s14 =	sor.u32 $0x4000, s31;
	[tilespmem:s15+$0x1830 ss:$0x81] =	vst.msk $0xffff, v3  }
.LBB1_3:
0x35: {  	v3 =	vld [tilespmem:s18+$0x10];
	p1 =	sne.s32 s17, $0x1FC;
	[tilespmem:s15+$0x810 ss:$0x81] =	vst.msk $0xffff, v2;
	s19 =	smov.u32 s17;
	s17 =	sadd.s32 $0x4, s17  }
.Ltmp3:
0x36: {  	v2 =	vld [tilespmem:s18+$0xFFFFFFF0];
	[tilespmem:s15+$0x1020 ss:$0x81] =	vst.msk $0xffff, v0;
	(pc) =	sbr.rel @p1 .LBB1_3-.Ltmp3, $4  }
0x37: {  	v0 =	vld [tilespmem:s18+$0x0];
	[tilespmem:s15+$0x0 ss:$0x81] =	vst.msk $0xffff, v1  }
0x38: {  	s15 =	sshra.s32 s19, $0x2;
	v1 =	vld [tilespmem:s18+$0xFFFFFFE0]  }
0x39: {  	s15 =	sadd.s32 s15, s16  }
0x3a: {  	s18 =	sadd.s32 $0x40, s18;
	[tilespmem:s15+$0x1830 ss:$0x81] =	vst.msk $0xffff, v3  }
.Ltmp4:
0x3b: {  	_ = 	snop;
	(pc) =	sbr.rel .LBB1_4-.Ltmp4, $1  }
0x3c: {  	_ =	sdelay $0x3  }
.LBB1_6:
0x3d: {  	_ =	sfence.sel $0x180000  }
0x3e: {  	s2 =	simm.s32 $0x1;
	[bflag:$0x0] =	sbarrier.arrive $0xFFFF  }
0x3f: {  	s31 =	simm.s32 $0x2;
	[sflag:s2] =	ssyncpa.u1 $0x1  }
0x40: {  	[sflag:s31] =	ssyncpa.u1 $0x1  }
0x41: {  	p0 =	sne.s32 s0, $0x0;
	_ =	strace $0x9000004A  }
0x42: {  	s0 =	sadd.s32 @!p0 $0x100000, s1;
	[bflag:$0x2] =	sbarrier.arrive $0xFFFF  }
0x43: {  	[sflag:s0] =	ssyncadd.tile.s32 @!p0 $0x1;
	_ =	shalt  }
.Lfunc_end1:
_tile_overlayer_lowered:
.L_overlay_start_2:
0x44: {  	(tag) =	ssettag $0x2  }
0x45: {  	s0 =	rddreg [dreg:$0x0];
	s2 =	stileid.u32  }
0x46: {  	s1 =	rddreg [dreg:$0x1];
	p0 =	sne.s32 s2, $0x0  }
0x47: {  	s3 =	rddreg [dreg:$0x2];
	[bflag:$0x3] =	sbarrier.arrive $0xFFFF;
	s2 =	simm.s32 @!p0 $0x1C01  }
0x48: {  	[timem:s3], [sflag:s2] =	dma.local @!p0 [hbm:s0], s1  }
0x49: {  	s0 =	simm.s32 @!p0 $0x1  }
0x4a: {  	_ =	swait.ge @!p0 [sflag:s0], s1  }
0x4b: {  	s1 =	ssub.s32 @!p0 $0x0, s1;
	[sflag:s0] =	ssyncset.done @!p0 $0x0  }
0x4c: {  	[sflag:s0] =	ssyncadd.s32 @!p0 s1  }
0x4d: {  	[bflag:$0x3] =	sbarrier.arrive $0xFFFF  }
0x4e: {  	_ =	shalt  }

</sc_bundles>
